<compile_context>
chip_gen: v7x
topology: tpu7x:2x2x1
jax: 0.10.2.dev20260603
libtpu: 0.0.44.dev20260713+nightly
codegen_flags: <defaults>
</compile_context>

<pallas_src>
import functools

import jax
import jax.numpy as jnp
from jax import lax
from jax.experimental import pallas as pl
from jax.experimental.pallas import tpu as pltpu
from jax.experimental.pallas import tpu_sc as plsc

NSTREAM = 4


@functools.cache
def _make(n_cols: int, n_tokens: int, dim: int):
    info = plsc.get_sparse_core_info()
    nw = info.num_cores * info.num_subcores
    tpw = n_tokens // nw
    seg = tpw // NSTREAM
    npair = n_cols // 2
    mesh = plsc.VectorSubcoreMesh(core_axis_name="c", subcore_axis_name="s")
    lanes = info.num_lanes
    tpad = tpw + 1

    @functools.partial(
        pl.kernel,
        mesh=mesh,
        out_type=jax.ShapeDtypeStruct((n_cols, dim, n_tokens), jnp.float32),
        scratch_types=[
            pltpu.VMEM((n_cols, tpw), jnp.int32),
            pltpu.VMEM((tpw, dim), jnp.float32),
            pltpu.VMEM((tpw, dim), jnp.float32),
            pltpu.VMEM((dim, tpad), jnp.float32),
            pltpu.VMEM((dim, tpad), jnp.float32),
            pltpu.SemaphoreType.DMA,
            pltpu.SemaphoreType.DMA,
            pltpu.SemaphoreType.DMA,
            pltpu.SemaphoreType.DMA,
        ],
        compiler_params=pltpu.CompilerParams(
            use_tc_tiling_on_sc=False, needs_layout_passes=False
        ),
    )
    def emb(xt_hbm, table_hbm, out_hbm, idx_t, rows0, rows1, tb0, tb1,
            gsem0, gsem1, wsem0, wsem1):
        wid = lax.axis_index("s") * info.num_cores + lax.axis_index("c")
        i0 = wid * tpw
        pltpu.sync_copy(xt_hbm.at[:, pl.ds(i0, tpw)], idx_t)
        rows = (rows0, rows1)
        tbufs = (tb0, tb1)
        gsems = (gsem0, gsem1)
        wsems = (wsem0, wsem1)

        def gather_descs(j, p):
            return [
                pltpu.make_async_copy(
                    table_hbm.at[idx_t.at[j, pl.ds(q * seg, seg)]],
                    rows[p].at[pl.ds(q * seg, seg)],
                    gsems[p],
                )
                for q in range(NSTREAM)
            ]

        def wb_desc(j, p):
            return pltpu.make_async_copy(
                tbufs[p].at[:, pl.ds(0, tpw)],
                out_hbm.at[j, :, pl.ds(i0, tpw)],
                wsems[p],
            )

        dlo = lax.iota(jnp.int32, lanes)
        dhi = dlo + lanes

        def transpose(p):
            src, dst = rows[p], tbufs[p]

            @plsc.parallel_loop(0, tpw, 8, unroll=2)
            def tbody(i):
                for t in range(8):
                    iv = jnp.full((lanes,), i + t, jnp.int32)
                    v0 = src[i + t, pl.ds(0, lanes)]
                    v1 = src[i + t, pl.ds(lanes, lanes)]
                    plsc.store_scatter(dst, [dlo, iv], v0)
                    plsc.store_scatter(dst, [dhi, iv], v1)

        for d in gather_descs(0, 0):
            d.start()
        for d in gather_descs(1, 1):
            d.start()

        def body(jj, carry):
            for p in range(2):
                j = 2 * jj + p
                for desc in gather_descs(j, p):
                    desc.wait()

                @pl.when(jj > 0)
                def _():
                    wb_desc(j - 2, p).wait()

                transpose(p)
                wb_desc(j, p).start()

                @pl.when(jj + 1 < npair)
                def _():
                    for desc in gather_descs(j + 2, p):
                        desc.start()

            return carry

        lax.fori_loop(0, npair, body, 0)
        wb_desc(n_cols - 2, 0).wait()
        wb_desc(n_cols - 1, 1).wait()

    return emb


def kernel(x, weights):
    b, s = x.shape
    dim = weights.shape[1]
    xt = jnp.transpose(x.astype(jnp.int32))
    out_t = _make(s, b, dim)(xt, weights)
    return jnp.transpose(out_t, (2, 0, 1))

# --- scband reference (transcript-rebuilt; emitter-appended) ---
"""Pipeline reference for scband-embedding-24713241822225 (READ-ONLY COPY).

The authoritative reference and input builder live on the scoring server;
editing this copy changes nothing except your own understanding.
"""

import jax, jax.numpy as jnp
import numpy as np

VOCAB = 1000000
DIM = 32

def setup_inputs(seed: int = 0) -> dict:
    key = jax.random.key(seed)
    k_idx, k_w = jax.random.split(key)
    x = jax.random.randint(k_idx, (16384, 50), 0, VOCAB, dtype=jnp.int64 if jax.config.jax_enable_x64 else jnp.int32)
    weights = jax.random.normal(k_w, (VOCAB, DIM), dtype=jnp.float32)
    return {"x": x, "weights": weights}

def reference(x, weights):
    # Faithful translation of: return self.weights[x]
    return jnp.take(weights, x, axis=0)

if __name__ == "__main__":
    import jax
    _d = setup_inputs()
    print(jax.jit(kernel)(*tuple(_d.values())))

</pallas_src>

<mosaic_0001>
#map = affine_map<(d0, d1) -> (0, 0)>
#map1 = affine_map<(d0, d1) -> (0, 0, 0)>
module attributes {stable_mosaic.version = 14 : i64} {
  func.func @emb(%arg0: i32, %arg1: i32, %arg2: memref<50x16384xi32, #tpu.memory_space<hbm>>, %arg3: memref<1000000x32xf32, #tpu.memory_space<hbm>>, %arg4: memref<50x32x16384xf32, #tpu.memory_space<hbm>>, %arg5: memref<50x512xi32, #tpu.memory_space<vmem>>, %arg6: memref<512x32xf32, #tpu.memory_space<vmem>>, %arg7: memref<512x32xf32, #tpu.memory_space<vmem>>, %arg8: memref<32x513xf32, #tpu.memory_space<vmem>>, %arg9: memref<32x513xf32, #tpu.memory_space<vmem>>, %arg10: memref<!tpu.dma_semaphore, #tpu.memory_space<semaphore_mem>>, %arg11: memref<!tpu.dma_semaphore, #tpu.memory_space<semaphore_mem>>, %arg12: memref<!tpu.dma_semaphore, #tpu.memory_space<semaphore_mem>>, %arg13: memref<!tpu.dma_semaphore, #tpu.memory_space<semaphore_mem>>) attributes {dimension_semantics = [#tpu.dimension_semantics<core_parallel>, #tpu.dimension_semantics<subcore_parallel>], iteration_bounds = array<i64: 2, 16>, scalar_prefetch = 0 : i64, scratch_operands = 9 : i64, tpu.core_type = #tpu.core_type<sc_vector_subcore>, window_params = [{transform_indices = #map}, {transform_indices = #map}, {transform_indices = #map1}]} {
    %mul3A = arith.constant 2 : i32
    %mul3A_0 = arith.muli %arg1, %mul3A : i32
    %add3A = arith.addi %mul3A_0, %arg0 : i32
    %mul3A_1 = arith.constant 512 : i32
    %mul3A_2 = arith.muli %add3A, %mul3A_1 : i32
    "tpu.region"() ({
      %run_scoped3A = tpu.sem_alloc : memref<!tpu.dma_semaphore, #tpu.memory_space<semaphore_mem>>
      %dma_start3A_115 = arith.constant 0 : i32
      %dma_start3A_116 = tpu.memref_slice %arg2[%dma_start3A_115, %mul3A_2] : memref<50x16384xi32, #tpu.memory_space<hbm>> -> memref<50x512xi32, #tpu.memory_space<hbm>>
      %dma_start3A_117 = arith.constant 0 : i32
      %dma_start3A_118 = tpu.memref_slice %arg2[%dma_start3A_117, %mul3A_2] : memref<50x16384xi32, #tpu.memory_space<hbm>> -> memref<50x512xi32, #tpu.memory_space<hbm>>
      tpu.enqueue_dma source(%dma_start3A_118 : memref<50x512xi32, #tpu.memory_space<hbm>>) target(%arg5 : memref<50x512xi32, #tpu.memory_space<vmem>>) target_semaphore(%run_scoped3A : memref<!tpu.dma_semaphore, #tpu.memory_space<semaphore_mem>>)
      %dma_wait3A_119 = arith.constant 0 : i32
      %dma_wait3A_120 = tpu.memref_slice %arg2[%dma_wait3A_119, %mul3A_2] : memref<50x16384xi32, #tpu.memory_space<hbm>> -> memref<50x512xi32, #tpu.memory_space<hbm>>
      %dma_wait3A_121 = arith.constant 0 : i32
      %dma_wait3A_122 = tpu.memref_slice %arg2[%dma_wait3A_121, %mul3A_2] : memref<50x16384xi32, #tpu.memory_space<hbm>> -> memref<50x512xi32, #tpu.memory_space<hbm>>
      tpu.wait_dma2 semaphore(%run_scoped3A : memref<!tpu.dma_semaphore, #tpu.memory_space<semaphore_mem>>) src(%dma_wait3A_122 : memref<50x512xi32, #tpu.memory_space<hbm>>) dst(%arg5 : memref<50x512xi32, #tpu.memory_space<vmem>>)
      tpu.yield
    }) : () -> ()
    %iota3A = tpu.iota {dimensions = array<i32: 0>} : vector<16xi32>
    %add3A_3 = arith.constant 16 : i32
    %add3A_4 = vector.broadcast %add3A_3 : i32 to vector<16xi32>
    %add3A_5 = arith.addi %iota3A, %add3A_4 : vector<16xi32>
    %dma_start3A = arith.constant 0 : i32
    %dma_start3A_6 = arith.constant 0 : i32
    %dma_start3A_7 = arith.constant 0 : i32
    %dma_start3A_8 = tpu.memref_slice %arg6[%dma_start3A_6, %dma_start3A_7] : memref<512x32xf32, #tpu.memory_space<vmem>> -> memref<128x32xf32, #tpu.memory_space<vmem>>
    %dma_start3A_9 = arith.constant 0 : i32
    %dma_start3A_10 = tpu.memref_slice %arg5[%dma_start3A, %dma_start3A_9] : memref<50x512xi32, #tpu.memory_space<vmem>> -> memref<1x128xi32, #tpu.memory_space<vmem>>
    %dma_start3A_11 = tpu.memref_squeeze %dma_start3A_10 : memref<1x128xi32, #tpu.memory_space<vmem>> -> memref<128xi32, #tpu.memory_space<vmem>>
    %dma_start3A_12 = arith.constant 0 : i32
    %dma_start3A_13 = arith.constant 0 : i32
    %dma_start3A_14 = tpu.memref_slice %arg3[%dma_start3A_12, %dma_start3A_13] : memref<1000000x32xf32, #tpu.memory_space<hbm>> -> memref<1000000x32xf32, #tpu.memory_space<hbm>>
    tpu.enqueue_indirect_dma source(%dma_start3A_14 : memref<1000000x32xf32, #tpu.memory_space<hbm>>) target(%dma_start3A_8 : memref<128x32xf32, #tpu.memory_space<vmem>>) offsets(%dma_start3A_11 : memref<128xi32, #tpu.memory_space<vmem>>) semaphore(%arg10 : memref<!tpu.dma_semaphore, #tpu.memory_space<semaphore_mem>>)
    %dma_start3A_15 = arith.constant 0 : i32
    %dma_start3A_16 = arith.constant 128 : i32
    %dma_start3A_17 = arith.constant 0 : i32
    %dma_start3A_18 = tpu.memref_slice %arg6[%dma_start3A_16, %dma_start3A_17] : memref<512x32xf32, #tpu.memory_space<vmem>> -> memref<128x32xf32, #tpu.memory_space<vmem>>
    %dma_start3A_19 = arith.constant 128 : i32
    %dma_start3A_20 = tpu.memref_slice %arg5[%dma_start3A_15, %dma_start3A_19] : memref<50x512xi32, #tpu.memory_space<vmem>> -> memref<1x128xi32, #tpu.memory_space<vmem>>
    %dma_start3A_21 = tpu.memref_squeeze %dma_start3A_20 : memref<1x128xi32, #tpu.memory_space<vmem>> -> memref<128xi32, #tpu.memory_space<vmem>>
    %dma_start3A_22 = arith.constant 0 : i32
    %dma_start3A_23 = arith.constant 0 : i32
    %dma_start3A_24 = tpu.memref_slice %arg3[%dma_start3A_22, %dma_start3A_23] : memref<1000000x32xf32, #tpu.memory_space<hbm>> -> memref<1000000x32xf32, #tpu.memory_space<hbm>>
    tpu.enqueue_indirect_dma source(%dma_start3A_24 : memref<1000000x32xf32, #tpu.memory_space<hbm>>) target(%dma_start3A_18 : memref<128x32xf32, #tpu.memory_space<vmem>>) offsets(%dma_start3A_21 : memref<128xi32, #tpu.memory_space<vmem>>) semaphore(%arg10 : memref<!tpu.dma_semaphore, #tpu.memory_space<semaphore_mem>>)
    %dma_start3A_25 = arith.constant 0 : i32
    %dma_start3A_26 = arith.constant 256 : i32
    %dma_start3A_27 = arith.constant 0 : i32
    %dma_start3A_28 = tpu.memref_slice %arg6[%dma_start3A_26, %dma_start3A_27] : memref<512x32xf32, #tpu.memory_space<vmem>> -> memref<128x32xf32, #tpu.memory_space<vmem>>
    %dma_start3A_29 = arith.constant 256 : i32
    %dma_start3A_30 = tpu.memref_slice %arg5[%dma_start3A_25, %dma_start3A_29] : memref<50x512xi32, #tpu.memory_space<vmem>> -> memref<1x128xi32, #tpu.memory_space<vmem>>
    %dma_start3A_31 = tpu.memref_squeeze %dma_start3A_30 : memref<1x128xi32, #tpu.memory_space<vmem>> -> memref<128xi32, #tpu.memory_space<vmem>>
    %dma_start3A_32 = arith.constant 0 : i32
    %dma_start3A_33 = arith.constant 0 : i32
    %dma_start3A_34 = tpu.memref_slice %arg3[%dma_start3A_32, %dma_start3A_33] : memref<1000000x32xf32, #tpu.memory_space<hbm>> -> memref<1000000x32xf32, #tpu.memory_space<hbm>>
    tpu.enqueue_indirect_dma source(%dma_start3A_34 : memref<1000000x32xf32, #tpu.memory_space<hbm>>) target(%dma_start3A_28 : memref<128x32xf32, #tpu.memory_space<vmem>>) offsets(%dma_start3A_31 : memref<128xi32, #tpu.memory_space<vmem>>) semaphore(%arg10 : memref<!tpu.dma_semaphore, #tpu.memory_space<semaphore_mem>>)
    %dma_start3A_35 = arith.constant 0 : i32
    %dma_start3A_36 = arith.constant 384 : i32
    %dma_start3A_37 = arith.constant 0 : i32
    %dma_start3A_38 = tpu.memref_slice %arg6[%dma_start3A_36, %dma_start3A_37] : memref<512x32xf32, #tpu.memory_space<vmem>> -> memref<128x32xf32, #tpu.memory_space<vmem>>
    %dma_start3A_39 = arith.constant 384 : i32
    %dma_start3A_40 = tpu.memref_slice %arg5[%dma_start3A_35, %dma_start3A_39] : memref<50x512xi32, #tpu.memory_space<vmem>> -> memref<1x128xi32, #tpu.memory_space<vmem>>
    %dma_start3A_41 = tpu.memref_squeeze %dma_start3A_40 : memref<1x128xi32, #tpu.memory_space<vmem>> -> memref<128xi32, #tpu.memory_space<vmem>>
    %dma_start3A_42 = arith.constant 0 : i32
    %dma_start3A_43 = arith.constant 0 : i32
    %dma_start3A_44 = tpu.memref_slice %arg3[%dma_start3A_42, %dma_start3A_43] : memref<1000000x32xf32, #tpu.memory_space<hbm>> -> memref<1000000x32xf32, #tpu.memory_space<hbm>>
    tpu.enqueue_indirect_dma source(%dma_start3A_44 : memref<1000000x32xf32, #tpu.memory_space<hbm>>) target(%dma_start3A_38 : memref<128x32xf32, #tpu.memory_space<vmem>>) offsets(%dma_start3A_41 : memref<128xi32, #tpu.memory_space<vmem>>) semaphore(%arg10 : memref<!tpu.dma_semaphore, #tpu.memory_space<semaphore_mem>>)
    %dma_start3A_45 = arith.constant 1 : i32
    %dma_start3A_46 = arith.constant 0 : i32
    %dma_start3A_47 = arith.constant 0 : i32
    %dma_start3A_48 = tpu.memref_slice %arg7[%dma_start3A_46, %dma_start3A_47] : memref<512x32xf32, #tpu.memory_space<vmem>> -> memref<128x32xf32, #tpu.memory_space<vmem>>
    %dma_start3A_49 = arith.constant 0 : i32
    %dma_start3A_50 = tpu.memref_slice %arg5[%dma_start3A_45, %dma_start3A_49] : memref<50x512xi32, #tpu.memory_space<vmem>> -> memref<1x128xi32, #tpu.memory_space<vmem>>
    %dma_start3A_51 = tpu.memref_squeeze %dma_start3A_50 : memref<1x128xi32, #tpu.memory_space<vmem>> -> memref<128xi32, #tpu.memory_space<vmem>>
    %dma_start3A_52 = arith.constant 0 : i32
    %dma_start3A_53 = arith.constant 0 : i32
    %dma_start3A_54 = tpu.memref_slice %arg3[%dma_start3A_52, %dma_start3A_53] : memref<1000000x32xf32, #tpu.memory_space<hbm>> -> memref<1000000x32xf32, #tpu.memory_space<hbm>>
    tpu.enqueue_indirect_dma source(%dma_start3A_54 : memref<1000000x32xf32, #tpu.memory_space<hbm>>) target(%dma_start3A_48 : memref<128x32xf32, #tpu.memory_space<vmem>>) offsets(%dma_start3A_51 : memref<128xi32, #tpu.memory_space<vmem>>) semaphore(%arg11 : memref<!tpu.dma_semaphore, #tpu.memory_space<semaphore_mem>>)
    %dma_start3A_55 = arith.constant 1 : i32
    %dma_start3A_56 = arith.constant 128 : i32
    %dma_start3A_57 = arith.constant 0 : i32
    %dma_start3A_58 = tpu.memref_slice %arg7[%dma_start3A_56, %dma_start3A_57] : memref<512x32xf32, #tpu.memory_space<vmem>> -> memref<128x32xf32, #tpu.memory_space<vmem>>
    %dma_start3A_59 = arith.constant 128 : i32
    %dma_start3A_60 = tpu.memref_slice %arg5[%dma_start3A_55, %dma_start3A_59] : memref<50x512xi32, #tpu.memory_space<vmem>> -> memref<1x128xi32, #tpu.memory_space<vmem>>
    %dma_start3A_61 = tpu.memref_squeeze %dma_start3A_60 : memref<1x128xi32, #tpu.memory_space<vmem>> -> memref<128xi32, #tpu.memory_space<vmem>>
    %dma_start3A_62 = arith.constant 0 : i32
    %dma_start3A_63 = arith.constant 0 : i32
    %dma_start3A_64 = tpu.memref_slice %arg3[%dma_start3A_62, %dma_start3A_63] : memref<1000000x32xf32, #tpu.memory_space<hbm>> -> memref<1000000x32xf32, #tpu.memory_space<hbm>>
    tpu.enqueue_indirect_dma source(%dma_start3A_64 : memref<1000000x32xf32, #tpu.memory_space<hbm>>) target(%dma_start3A_58 : memref<128x32xf32, #tpu.memory_space<vmem>>) offsets(%dma_start3A_61 : memref<128xi32, #tpu.memory_space<vmem>>) semaphore(%arg11 : memref<!tpu.dma_semaphore, #tpu.memory_space<semaphore_mem>>)
    %dma_start3A_65 = arith.constant 1 : i32
    %dma_start3A_66 = arith.constant 256 : i32
    %dma_start3A_67 = arith.constant 0 : i32
    %dma_start3A_68 = tpu.memref_slice %arg7[%dma_start3A_66, %dma_start3A_67] : memref<512x32xf32, #tpu.memory_space<vmem>> -> memref<128x32xf32, #tpu.memory_space<vmem>>
    %dma_start3A_69 = arith.constant 256 : i32
    %dma_start3A_70 = tpu.memref_slice %arg5[%dma_start3A_65, %dma_start3A_69] : memref<50x512xi32, #tpu.memory_space<vmem>> -> memref<1x128xi32, #tpu.memory_space<vmem>>
    %dma_start3A_71 = tpu.memref_squeeze %dma_start3A_70 : memref<1x128xi32, #tpu.memory_space<vmem>> -> memref<128xi32, #tpu.memory_space<vmem>>
    %dma_start3A_72 = arith.constant 0 : i32
    %dma_start3A_73 = arith.constant 0 : i32
    %dma_start3A_74 = tpu.memref_slice %arg3[%dma_start3A_72, %dma_start3A_73] : memref<1000000x32xf32, #tpu.memory_space<hbm>> -> memref<1000000x32xf32, #tpu.memory_space<hbm>>
    tpu.enqueue_indirect_dma source(%dma_start3A_74 : memref<1000000x32xf32, #tpu.memory_space<hbm>>) target(%dma_start3A_68 : memref<128x32xf32, #tpu.memory_space<vmem>>) offsets(%dma_start3A_71 : memref<128xi32, #tpu.memory_space<vmem>>) semaphore(%arg11 : memref<!tpu.dma_semaphore, #tpu.memory_space<semaphore_mem>>)
    %dma_start3A_75 = arith.constant 1 : i32
    %dma_start3A_76 = arith.constant 384 : i32
    %dma_start3A_77 = arith.constant 0 : i32
    %dma_start3A_78 = tpu.memref_slice %arg7[%dma_start3A_76, %dma_start3A_77] : memref<512x32xf32, #tpu.memory_space<vmem>> -> memref<128x32xf32, #tpu.memory_space<vmem>>
    %dma_start3A_79 = arith.constant 384 : i32
    %dma_start3A_80 = tpu.memref_slice %arg5[%dma_start3A_75, %dma_start3A_79] : memref<50x512xi32, #tpu.memory_space<vmem>> -> memref<1x128xi32, #tpu.memory_space<vmem>>
    %dma_start3A_81 = tpu.memref_squeeze %dma_start3A_80 : memref<1x128xi32, #tpu.memory_space<vmem>> -> memref<128xi32, #tpu.memory_space<vmem>>
    %dma_start3A_82 = arith.constant 0 : i32
    %dma_start3A_83 = arith.constant 0 : i32
    %dma_start3A_84 = tpu.memref_slice %arg3[%dma_start3A_82, %dma_start3A_83] : memref<1000000x32xf32, #tpu.memory_space<hbm>> -> memref<1000000x32xf32, #tpu.memory_space<hbm>>
    tpu.enqueue_indirect_dma source(%dma_start3A_84 : memref<1000000x32xf32, #tpu.memory_space<hbm>>) target(%dma_start3A_78 : memref<128x32xf32, #tpu.memory_space<vmem>>) offsets(%dma_start3A_81 : memref<128xi32, #tpu.memory_space<vmem>>) semaphore(%arg11 : memref<!tpu.dma_semaphore, #tpu.memory_space<semaphore_mem>>)
    %scan3A = arith.constant 0 : i32
    %scan3A_85 = arith.constant 0 : i32
    %scan3A_86 = arith.constant 25 : i32
    %scan3A_87 = arith.addi %scan3A_85, %scan3A_86 : i32
    %scan3A_88 = arith.constant 1 : i32
    scf.for %scan3A_115 = %scan3A_85 to %scan3A_87 step %scan3A_88  : i32 {
      %mul3A_116 = arith.constant 2 : i32
      %mul3A_117 = arith.muli %mul3A_116, %scan3A_115 : i32
      %add3A_118 = arith.constant 0 : i32
      %add3A_119 = arith.addi %mul3A_117, %add3A_118 : i32
      %dma_wait3A_120 = arith.constant 0 : i32
      %dma_wait3A_121 = arith.constant 0 : i32
      %dma_wait3A_122 = tpu.memref_slice %arg6[%dma_wait3A_120, %dma_wait3A_121] : memref<512x32xf32, #tpu.memory_space<vmem>> -> memref<128x32xf32, #tpu.memory_space<vmem>>
      %dma_wait3A_123 = arith.constant 0 : i32
      %dma_wait3A_124 = tpu.memref_slice %arg5[%add3A_119, %dma_wait3A_123] : memref<50x512xi32, #tpu.memory_space<vmem>> -> memref<1x128xi32, #tpu.memory_space<vmem>>
      %dma_wait3A_125 = tpu.memref_squeeze %dma_wait3A_124 : memref<1x128xi32, #tpu.memory_space<vmem>> -> memref<128xi32, #tpu.memory_space<vmem>>
      %dma_wait3A_126 = arith.constant 0 : i32
      %dma_wait3A_127 = arith.constant 0 : i32
      %dma_wait3A_128 = tpu.memref_slice %arg3[%dma_wait3A_126, %dma_wait3A_127] : memref<1000000x32xf32, #tpu.memory_space<hbm>> -> memref<1000000x32xf32, #tpu.memory_space<hbm>>
      tpu.wait_indirect_dma semaphore(%arg10 : memref<!tpu.dma_semaphore, #tpu.memory_space<semaphore_mem>>) src(%dma_wait3A_128 : memref<1000000x32xf32, #tpu.memory_space<hbm>>) dst(%dma_wait3A_122 : memref<128x32xf32, #tpu.memory_space<vmem>>)
      %dma_wait3A_129 = arith.constant 128 : i32
      %dma_wait3A_130 = arith.constant 0 : i32
      %dma_wait3A_131 = tpu.memref_slice %arg6[%dma_wait3A_129, %dma_wait3A_130] : memref<512x32xf32, #tpu.memory_space<vmem>> -> memref<128x32xf32, #tpu.memory_space<vmem>>
      %dma_wait3A_132 = arith.constant 128 : i32
      %dma_wait3A_133 = tpu.memref_slice %arg5[%add3A_119, %dma_wait3A_132] : memref<50x512xi32, #tpu.memory_space<vmem>> -> memref<1x128xi32, #tpu.memory_space<vmem>>
      %dma_wait3A_134 = tpu.memref_squeeze %dma_wait3A_133 : memref<1x128xi32, #tpu.memory_space<vmem>> -> memref<128xi32, #tpu.memory_space<vmem>>
      %dma_wait3A_135 = arith.constant 0 : i32
      %dma_wait3A_136 = arith.constant 0 : i32
      %dma_wait3A_137 = tpu.memref_slice %arg3[%dma_wait3A_135, %dma_wait3A_136] : memref<1000000x32xf32, #tpu.memory_space<hbm>> -> memref<1000000x32xf32, #tpu.memory_space<hbm>>
      tpu.wait_indirect_dma semaphore(%arg10 : memref<!tpu.dma_semaphore, #tpu.memory_space<semaphore_mem>>) src(%dma_wait3A_137 : memref<1000000x32xf32, #tpu.memory_space<hbm>>) dst(%dma_wait3A_131 : memref<128x32xf32, #tpu.memory_space<vmem>>)
      %dma_wait3A_138 = arith.constant 256 : i32
      %dma_wait3A_139 = arith.constant 0 : i32
      %dma_wait3A_140 = tpu.memref_slice %arg6[%dma_wait3A_138, %dma_wait3A_139] : memref<512x32xf32, #tpu.memory_space<vmem>> -> memref<128x32xf32, #tpu.memory_space<vmem>>
      %dma_wait3A_141 = arith.constant 256 : i32
      %dma_wait3A_142 = tpu.memref_slice %arg5[%add3A_119, %dma_wait3A_141] : memref<50x512xi32, #tpu.memory_space<vmem>> -> memref<1x128xi32, #tpu.memory_space<vmem>>
      %dma_wait3A_143 = tpu.memref_squeeze %dma_wait3A_142 : memref<1x128xi32, #tpu.memory_space<vmem>> -> memref<128xi32, #tpu.memory_space<vmem>>
      %dma_wait3A_144 = arith.constant 0 : i32
      %dma_wait3A_145 = arith.constant 0 : i32
      %dma_wait3A_146 = tpu.memref_slice %arg3[%dma_wait3A_144, %dma_wait3A_145] : memref<1000000x32xf32, #tpu.memory_space<hbm>> -> memref<1000000x32xf32, #tpu.memory_space<hbm>>
      tpu.wait_indirect_dma semaphore(%arg10 : memref<!tpu.dma_semaphore, #tpu.memory_space<semaphore_mem>>) src(%dma_wait3A_146 : memref<1000000x32xf32, #tpu.memory_space<hbm>>) dst(%dma_wait3A_140 : memref<128x32xf32, #tpu.memory_space<vmem>>)
      %dma_wait3A_147 = arith.constant 384 : i32
      %dma_wait3A_148 = arith.constant 0 : i32
      %dma_wait3A_149 = tpu.memref_slice %arg6[%dma_wait3A_147, %dma_wait3A_148] : memref<512x32xf32, #tpu.memory_space<vmem>> -> memref<128x32xf32, #tpu.memory_space<vmem>>
      %dma_wait3A_150 = arith.constant 384 : i32
      %dma_wait3A_151 = tpu.memref_slice %arg5[%add3A_119, %dma_wait3A_150] : memref<50x512xi32, #tpu.memory_space<vmem>> -> memref<1x128xi32, #tpu.memory_space<vmem>>
      %dma_wait3A_152 = tpu.memref_squeeze %dma_wait3A_151 : memref<1x128xi32, #tpu.memory_space<vmem>> -> memref<128xi32, #tpu.memory_space<vmem>>
      %dma_wait3A_153 = arith.constant 0 : i32
      %dma_wait3A_154 = arith.constant 0 : i32
      %dma_wait3A_155 = tpu.memref_slice %arg3[%dma_wait3A_153, %dma_wait3A_154] : memref<1000000x32xf32, #tpu.memory_space<hbm>> -> memref<1000000x32xf32, #tpu.memory_space<hbm>>
      tpu.wait_indirect_dma semaphore(%arg10 : memref<!tpu.dma_semaphore, #tpu.memory_space<semaphore_mem>>) src(%dma_wait3A_155 : memref<1000000x32xf32, #tpu.memory_space<hbm>>) dst(%dma_wait3A_149 : memref<128x32xf32, #tpu.memory_space<vmem>>)
      %gt3A = arith.constant 0 : i32
      %gt3A_156 = arith.cmpi sgt, %scan3A_115, %gt3A : i32
      %convert_element_type3A = arith.extui %gt3A_156 : i1 to i32
      %cond3A = arith.constant 0 : i32
      %cond3A_157 = arith.cmpi ne, %convert_element_type3A, %cond3A : i32
      scf.if %cond3A_157 {
        %sub3A = arith.constant 2 : i32
        %sub3A_245 = arith.subi %add3A_119, %sub3A : i32
        %dma_wait3A_246 = arith.constant 0 : i32
        %dma_wait3A_247 = arith.constant 0 : i32
        %dma_wait3A_248 = tpu.memref_slice %arg8[%dma_wait3A_246, %dma_wait3A_247] : memref<32x513xf32, #tpu.memory_space<vmem>> -> memref<32x512xf32, #tpu.memory_space<vmem>>
        %dma_wait3A_249 = arith.constant 0 : i32
        %dma_wait3A_250 = tpu.memref_slice %arg4[%sub3A_245, %dma_wait3A_249, %mul3A_2] : memref<50x32x16384xf32, #tpu.memory_space<hbm>> -> memref<1x32x512xf32, #tpu.memory_space<hbm>>
        %dma_wait3A_251 = tpu.memref_squeeze %dma_wait3A_250 : memref<1x32x512xf32, #tpu.memory_space<hbm>> -> memref<32x512xf32, #tpu.memory_space<hbm>>
        %dma_wait3A_252 = arith.constant 0 : i32
        %dma_wait3A_253 = tpu.memref_slice %arg4[%sub3A_245, %dma_wait3A_252, %mul3A_2] : memref<50x32x16384xf32, #tpu.memory_space<hbm>> -> memref<1x32x512xf32, #tpu.memory_space<hbm>>
        %dma_wait3A_254 = tpu.memref_squeeze %dma_wait3A_253 : memref<1x32x512xf32, #tpu.memory_space<hbm>> -> memref<32x512xf32, #tpu.memory_space<hbm>>
        %dma_wait3A_255 = arith.constant 0 : i32
        %dma_wait3A_256 = arith.constant 0 : i32
        %dma_wait3A_257 = tpu.memref_slice %arg8[%dma_wait3A_255, %dma_wait3A_256] : memref<32x513xf32, #tpu.memory_space<vmem>> -> memref<32x512xf32, #tpu.memory_space<vmem>>
        tpu.wait_dma2 semaphore(%arg12 : memref<!tpu.dma_semaphore, #tpu.memory_space<semaphore_mem>>) src(%dma_wait3A_257 : memref<32x512xf32, #tpu.memory_space<vmem>>) dst(%dma_wait3A_254 : memref<32x512xf32, #tpu.memory_space<hbm>>)
      } else {
      }
      %parallel_loop3A = arith.constant 0 : i32
      %parallel_loop3A_158 = arith.constant 512 : i32
      %parallel_loop3A_159 = arith.constant 8 : i32
      scf.for %parallel_loop3A_245 = %parallel_loop3A to %parallel_loop3A_158 step %parallel_loop3A_159  : i32 {
        %parallel_loop3A_246 = arith.constant 0 : i32
        %parallel_loop3A_247 = arith.addi %parallel_loop3A_245, %parallel_loop3A_246 : i32
        %parallel_loop3A_248 = vector.broadcast %parallel_loop3A_247 : i32 to vector<16xi32>
        %parallel_loop3A_249 = arith.constant 0 : i32
        %parallel_loop3A_250 = arith.addi %parallel_loop3A_245, %parallel_loop3A_249 : i32
        %parallel_loop3A_251 = arith.index_cast %parallel_loop3A_250 : i32 to index
        %parallel_loop3A_252 = arith.constant 0 : index
        %parallel_loop3A_253 = tpu.vector_load %arg6[%parallel_loop3A_251, %parallel_loop3A_252] {strides = array<i32>} : memref<512x32xf32, #tpu.memory_space<vmem>>, vector<16xf32>,
        %parallel_loop3A_254 = arith.constant 0 : i32
        %parallel_loop3A_255 = arith.addi %parallel_loop3A_245, %parallel_loop3A_254 : i32
        %parallel_loop3A_256 = arith.index_cast %parallel_loop3A_255 : i32 to index
        %parallel_loop3A_257 = arith.constant 16 : index
        %parallel_loop3A_258 = tpu.vector_load %arg6[%parallel_loop3A_256, %parallel_loop3A_257] {strides = array<i32>} : memref<512x32xf32, #tpu.memory_space<vmem>>, vector<16xf32>,
        tpu.vector_store_idx %arg8[%iota3A, %parallel_loop3A_248], %parallel_loop3A_253 : memref<32x513xf32, #tpu.memory_space<vmem>>[vector<16xi32>, vector<16xi32>], vector<16xf32>,
        tpu.vector_store_idx %arg8[%add3A_5, %parallel_loop3A_248], %parallel_loop3A_258 : memref<32x513xf32, #tpu.memory_space<vmem>>[vector<16xi32>, vector<16xi32>], vector<16xf32>,
        %parallel_loop3A_259 = arith.constant 1 : i32
        %parallel_loop3A_260 = arith.addi %parallel_loop3A_245, %parallel_loop3A_259 : i32
        %parallel_loop3A_261 = vector.broadcast %parallel_loop3A_260 : i32 to vector<16xi32>
        %parallel_loop3A_262 = arith.constant 1 : i32
        %parallel_loop3A_263 = arith.addi %parallel_loop3A_245, %parallel_loop3A_262 : i32
        %parallel_loop3A_264 = arith.index_cast %parallel_loop3A_263 : i32 to index
        %parallel_loop3A_265 = arith.constant 0 : index
        %parallel_loop3A_266 = tpu.vector_load %arg6[%parallel_loop3A_264, %parallel_loop3A_265] {strides = array<i32>} : memref<512x32xf32, #tpu.memory_space<vmem>>, vector<16xf32>,
        %parallel_loop3A_267 = arith.constant 1 : i32
        %parallel_loop3A_268 = arith.addi %parallel_loop3A_245, %parallel_loop3A_267 : i32
        %parallel_loop3A_269 = arith.index_cast %parallel_loop3A_268 : i32 to index
        %parallel_loop3A_270 = arith.constant 16 : index
        %parallel_loop3A_271 = tpu.vector_load %arg6[%parallel_loop3A_269, %parallel_loop3A_270] {strides = array<i32>} : memref<512x32xf32, #tpu.memory_space<vmem>>, vector<16xf32>,
        tpu.vector_store_idx %arg8[%iota3A, %parallel_loop3A_261], %parallel_loop3A_266 : memref<32x513xf32, #tpu.memory_space<vmem>>[vector<16xi32>, vector<16xi32>], vector<16xf32>,
        tpu.vector_store_idx %arg8[%add3A_5, %parallel_loop3A_261], %parallel_loop3A_271 : memref<32x513xf32, #tpu.memory_space<vmem>>[vector<16xi32>, vector<16xi32>], vector<16xf32>,
        %parallel_loop3A_272 = arith.constant 2 : i32
        %parallel_loop3A_273 = arith.addi %parallel_loop3A_245, %parallel_loop3A_272 : i32
        %parallel_loop3A_274 = vector.broadcast %parallel_loop3A_273 : i32 to vector<16xi32>
        %parallel_loop3A_275 = arith.constant 2 : i32
        %parallel_loop3A_276 = arith.addi %parallel_loop3A_245, %parallel_loop3A_275 : i32
        %parallel_loop3A_277 = arith.index_cast %parallel_loop3A_276 : i32 to index
        %parallel_loop3A_278 = arith.constant 0 : index
        %parallel_loop3A_279 = tpu.vector_load %arg6[%parallel_loop3A_277, %parallel_loop3A_278] {strides = array<i32>} : memref<512x32xf32, #tpu.memory_space<vmem>>, vector<16xf32>,
        %parallel_loop3A_280 = arith.constant 2 : i32
        %parallel_loop3A_281 = arith.addi %parallel_loop3A_245, %parallel_loop3A_280 : i32
        %parallel_loop3A_282 = arith.index_cast %parallel_loop3A_281 : i32 to index
        %parallel_loop3A_283 = arith.constant 16 : index
        %parallel_loop3A_284 = tpu.vector_load %arg6[%parallel_loop3A_282, %parallel_loop3A_283] {strides = array<i32>} : memref<512x32xf32, #tpu.memory_space<vmem>>, vector<16xf32>,
        tpu.vector_store_idx %arg8[%iota3A, %parallel_loop3A_274], %parallel_loop3A_279 : memref<32x513xf32, #tpu.memory_space<vmem>>[vector<16xi32>, vector<16xi32>], vector<16xf32>,
        tpu.vector_store_idx %arg8[%add3A_5, %parallel_loop3A_274], %parallel_loop3A_284 : memref<32x513xf32, #tpu.memory_space<vmem>>[vector<16xi32>, vector<16xi32>], vector<16xf32>,
        %parallel_loop3A_285 = arith.constant 3 : i32
        %parallel_loop3A_286 = arith.addi %parallel_loop3A_245, %parallel_loop3A_285 : i32
        %parallel_loop3A_287 = vector.broadcast %parallel_loop3A_286 : i32 to vector<16xi32>
        %parallel_loop3A_288 = arith.constant 3 : i32
        %parallel_loop3A_289 = arith.addi %parallel_loop3A_245, %parallel_loop3A_288 : i32
        %parallel_loop3A_290 = arith.index_cast %parallel_loop3A_289 : i32 to index
        %parallel_loop3A_291 = arith.constant 0 : index
        %parallel_loop3A_292 = tpu.vector_load %arg6[%parallel_loop3A_290, %parallel_loop3A_291] {strides = array<i32>} : memref<512x32xf32, #tpu.memory_space<vmem>>, vector<16xf32>,
        %parallel_loop3A_293 = arith.constant 3 : i32
        %parallel_loop3A_294 = arith.addi %parallel_loop3A_245, %parallel_loop3A_293 : i32
        %parallel_loop3A_295 = arith.index_cast %parallel_loop3A_294 : i32 to index
        %parallel_loop3A_296 = arith.constant 16 : index
        %parallel_loop3A_297 = tpu.vector_load %arg6[%parallel_loop3A_295, %parallel_loop3A_296] {strides = array<i32>} : memref<512x32xf32, #tpu.memory_space<vmem>>, vector<16xf32>,
        tpu.vector_store_idx %arg8[%iota3A, %parallel_loop3A_287], %parallel_loop3A_292 : memref<32x513xf32, #tpu.memory_space<vmem>>[vector<16xi32>, vector<16xi32>], vector<16xf32>,
        tpu.vector_store_idx %arg8[%add3A_5, %parallel_loop3A_287], %parallel_loop3A_297 : memref<32x513xf32, #tpu.memory_space<vmem>>[vector<16xi32>, vector<16xi32>], vector<16xf32>,
        %parallel_loop3A_298 = arith.constant 4 : i32
        %parallel_loop3A_299 = arith.addi %parallel_loop3A_245, %parallel_loop3A_298 : i32
        %parallel_loop3A_300 = vector.broadcast %parallel_loop3A_299 : i32 to vector<16xi32>
        %parallel_loop3A_301 = arith.constant 4 : i32
        %parallel_loop3A_302 = arith.addi %parallel_loop3A_245, %parallel_loop3A_301 : i32
        %parallel_loop3A_303 = arith.index_cast %parallel_loop3A_302 : i32 to index
        %parallel_loop3A_304 = arith.constant 0 : index
        %parallel_loop3A_305 = tpu.vector_load %arg6[%parallel_loop3A_303, %parallel_loop3A_304] {strides = array<i32>} : memref<512x32xf32, #tpu.memory_space<vmem>>, vector<16xf32>,
        %parallel_loop3A_306 = arith.constant 4 : i32
        %parallel_loop3A_307 = arith.addi %parallel_loop3A_245, %parallel_loop3A_306 : i32
        %parallel_loop3A_308 = arith.index_cast %parallel_loop3A_307 : i32 to index
        %parallel_loop3A_309 = arith.constant 16 : index
        %parallel_loop3A_310 = tpu.vector_load %arg6[%parallel_loop3A_308, %parallel_loop3A_309] {strides = array<i32>} : memref<512x32xf32, #tpu.memory_space<vmem>>, vector<16xf32>,
        tpu.vector_store_idx %arg8[%iota3A, %parallel_loop3A_300], %parallel_loop3A_305 : memref<32x513xf32, #tpu.memory_space<vmem>>[vector<16xi32>, vector<16xi32>], vector<16xf32>,
        tpu.vector_store_idx %arg8[%add3A_5, %parallel_loop3A_300], %parallel_loop3A_310 : memref<32x513xf32, #tpu.memory_space<vmem>>[vector<16xi32>, vector<16xi32>], vector<16xf32>,
        %parallel_loop3A_311 = arith.constant 5 : i32
        %parallel_loop3A_312 = arith.addi %parallel_loop3A_245, %parallel_loop3A_311 : i32
        %parallel_loop3A_313 = vector.broadcast %parallel_loop3A_312 : i32 to vector<16xi32>
        %parallel_loop3A_314 = arith.constant 5 : i32
        %parallel_loop3A_315 = arith.addi %parallel_loop3A_245, %parallel_loop3A_314 : i32
        %parallel_loop3A_316 = arith.index_cast %parallel_loop3A_315 : i32 to index
        %parallel_loop3A_317 = arith.constant 0 : index
        %parallel_loop3A_318 = tpu.vector_load %arg6[%parallel_loop3A_316, %parallel_loop3A_317] {strides = array<i32>} : memref<512x32xf32, #tpu.memory_space<vmem>>, vector<16xf32>,
        %parallel_loop3A_319 = arith.constant 5 : i32
        %parallel_loop3A_320 = arith.addi %parallel_loop3A_245, %parallel_loop3A_319 : i32
        %parallel_loop3A_321 = arith.index_cast %parallel_loop3A_320 : i32 to index
        %parallel_loop3A_322 = arith.constant 16 : index
        %parallel_loop3A_323 = tpu.vector_load %arg6[%parallel_loop3A_321, %parallel_loop3A_322] {strides = array<i32>} : memref<512x32xf32, #tpu.memory_space<vmem>>, vector<16xf32>,
        tpu.vector_store_idx %arg8[%iota3A, %parallel_loop3A_313], %parallel_loop3A_318 : memref<32x513xf32, #tpu.memory_space<vmem>>[vector<16xi32>, vector<16xi32>], vector<16xf32>,
        tpu.vector_store_idx %arg8[%add3A_5, %parallel_loop3A_313], %parallel_loop3A_323 : memref<32x513xf32, #tpu.memory_space<vmem>>[vector<16xi32>, vector<16xi32>], vector<16xf32>,
        %parallel_loop3A_324 = arith.constant 6 : i32
        %parallel_loop3A_325 = arith.addi %parallel_loop3A_245, %parallel_loop3A_324 : i32
        %parallel_loop3A_326 = vector.broadcast %parallel_loop3A_325 : i32 to vector<16xi32>
        %parallel_loop3A_327 = arith.constant 6 : i32
        %parallel_loop3A_328 = arith.addi %parallel_loop3A_245, %parallel_loop3A_327 : i32
        %parallel_loop3A_329 = arith.index_cast %parallel_loop3A_328 : i32 to index
        %parallel_loop3A_330 = arith.constant 0 : index
        %parallel_loop3A_331 = tpu.vector_load %arg6[%parallel_loop3A_329, %parallel_loop3A_330] {strides = array<i32>} : memref<512x32xf32, #tpu.memory_space<vmem>>, vector<16xf32>,
        %parallel_loop3A_332 = arith.constant 6 : i32
        %parallel_loop3A_333 = arith.addi %parallel_loop3A_245, %parallel_loop3A_332 : i32
        %parallel_loop3A_334 = arith.index_cast %parallel_loop3A_333 : i32 to index
        %parallel_loop3A_335 = arith.constant 16 : index
        %parallel_loop3A_336 = tpu.vector_load %arg6[%parallel_loop3A_334, %parallel_loop3A_335] {strides = array<i32>} : memref<512x32xf32, #tpu.memory_space<vmem>>, vector<16xf32>,
        tpu.vector_store_idx %arg8[%iota3A, %parallel_loop3A_326], %parallel_loop3A_331 : memref<32x513xf32, #tpu.memory_space<vmem>>[vector<16xi32>, vector<16xi32>], vector<16xf32>,
        tpu.vector_store_idx %arg8[%add3A_5, %parallel_loop3A_326], %parallel_loop3A_336 : memref<32x513xf32, #tpu.memory_space<vmem>>[vector<16xi32>, vector<16xi32>], vector<16xf32>,
        %parallel_loop3A_337 = arith.constant 7 : i32
        %parallel_loop3A_338 = arith.addi %parallel_loop3A_245, %parallel_loop3A_337 : i32
        %parallel_loop3A_339 = vector.broadcast %parallel_loop3A_338 : i32 to vector<16xi32>
        %parallel_loop3A_340 = arith.constant 7 : i32
        %parallel_loop3A_341 = arith.addi %parallel_loop3A_245, %parallel_loop3A_340 : i32
        %parallel_loop3A_342 = arith.index_cast %parallel_loop3A_341 : i32 to index
        %parallel_loop3A_343 = arith.constant 0 : index
        %parallel_loop3A_344 = tpu.vector_load %arg6[%parallel_loop3A_342, %parallel_loop3A_343] {strides = array<i32>} : memref<512x32xf32, #tpu.memory_space<vmem>>, vector<16xf32>,
        %parallel_loop3A_345 = arith.constant 7 : i32
        %parallel_loop3A_346 = arith.addi %parallel_loop3A_245, %parallel_loop3A_345 : i32
        %parallel_loop3A_347 = arith.index_cast %parallel_loop3A_346 : i32 to index
        %parallel_loop3A_348 = arith.constant 16 : index
        %parallel_loop3A_349 = tpu.vector_load %arg6[%parallel_loop3A_347, %parallel_loop3A_348] {strides = array<i32>} : memref<512x32xf32, #tpu.memory_space<vmem>>, vector<16xf32>,
        tpu.vector_store_idx %arg8[%iota3A, %parallel_loop3A_339], %parallel_loop3A_344 : memref<32x513xf32, #tpu.memory_space<vmem>>[vector<16xi32>, vector<16xi32>], vector<16xf32>,
        tpu.vector_store_idx %arg8[%add3A_5, %parallel_loop3A_339], %parallel_loop3A_349 : memref<32x513xf32, #tpu.memory_space<vmem>>[vector<16xi32>, vector<16xi32>], vector<16xf32>,
      } {sc.loop_unroll_factor = 2 : i64, sc.parallel_access}
      %dma_start3A_160 = arith.constant 0 : i32
      %dma_start3A_161 = arith.constant 0 : i32
      %dma_start3A_162 = tpu.memref_slice %arg8[%dma_start3A_160, %dma_start3A_161] : memref<32x513xf32, #tpu.memory_space<vmem>> -> memref<32x512xf32, #tpu.memory_space<vmem>>
      %dma_start3A_163 = arith.constant 0 : i32
      %dma_start3A_164 = tpu.memref_slice %arg4[%add3A_119, %dma_start3A_163, %mul3A_2] : memref<50x32x16384xf32, #tpu.memory_space<hbm>> -> memref<1x32x512xf32, #tpu.memory_space<hbm>>
      %dma_start3A_165 = tpu.memref_squeeze %dma_start3A_164 : memref<1x32x512xf32, #tpu.memory_space<hbm>> -> memref<32x512xf32, #tpu.memory_space<hbm>>
      %dma_start3A_166 = arith.constant 0 : i32
      %dma_start3A_167 = tpu.memref_slice %arg4[%add3A_119, %dma_start3A_166, %mul3A_2] : memref<50x32x16384xf32, #tpu.memory_space<hbm>> -> memref<1x32x512xf32, #tpu.memory_space<hbm>>
      %dma_start3A_168 = tpu.memref_squeeze %dma_start3A_167 : memref<1x32x512xf32, #tpu.memory_space<hbm>> -> memref<32x512xf32, #tpu.memory_space<hbm>>
      %dma_start3A_169 = arith.constant 0 : i32
      %dma_start3A_170 = arith.constant 0 : i32
      %dma_start3A_171 = tpu.memref_slice %arg8[%dma_start3A_169, %dma_start3A_170] : memref<32x513xf32, #tpu.memory_space<vmem>> -> memref<32x512xf32, #tpu.memory_space<vmem>>
      tpu.enqueue_dma source(%dma_start3A_171 : memref<32x512xf32, #tpu.memory_space<vmem>>) target(%dma_start3A_168 : memref<32x512xf32, #tpu.memory_space<hbm>>) target_semaphore(%arg12 : memref<!tpu.dma_semaphore, #tpu.memory_space<semaphore_mem>>)
      %add3A_172 = arith.constant 1 : i32
      %add3A_173 = arith.addi %scan3A_115, %add3A_172 : i32
      %lt3A = arith.constant 25 : i32
      %lt3A_174 = arith.cmpi slt, %add3A_173, %lt3A : i32
      %convert_element_type3A_175 = arith.extui %lt3A_174 : i1 to i32
      %cond3A_176 = arith.constant 0 : i32
      %cond3A_177 = arith.cmpi ne, %convert_element_type3A_175, %cond3A_176 : i32
      scf.if %cond3A_177 {
        %add3A_245 = arith.constant 2 : i32
        %add3A_246 = arith.addi %add3A_119, %add3A_245 : i32
        %dma_start3A_247 = arith.constant 0 : i32
        %dma_start3A_248 = arith.constant 0 : i32
        %dma_start3A_249 = tpu.memref_slice %arg6[%dma_start3A_247, %dma_start3A_248] : memref<512x32xf32, #tpu.memory_space<vmem>> -> memref<128x32xf32, #tpu.memory_space<vmem>>
        %dma_start3A_250 = arith.constant 0 : i32
        %dma_start3A_251 = tpu.memref_slice %arg5[%add3A_246, %dma_start3A_250] : memref<50x512xi32, #tpu.memory_space<vmem>> -> memref<1x128xi32, #tpu.memory_space<vmem>>
        %dma_start3A_252 = tpu.memref_squeeze %dma_start3A_251 : memref<1x128xi32, #tpu.memory_space<vmem>> -> memref<128xi32, #tpu.memory_space<vmem>>
        %dma_start3A_253 = arith.constant 0 : i32
        %dma_start3A_254 = arith.constant 0 : i32
        %dma_start3A_255 = tpu.memref_slice %arg3[%dma_start3A_253, %dma_start3A_254] : memref<1000000x32xf32, #tpu.memory_space<hbm>> -> memref<1000000x32xf32, #tpu.memory_space<hbm>>
        tpu.enqueue_indirect_dma source(%dma_start3A_255 : memref<1000000x32xf32, #tpu.memory_space<hbm>>) target(%dma_start3A_249 : memref<128x32xf32, #tpu.memory_space<vmem>>) offsets(%dma_start3A_252 : memref<128xi32, #tpu.memory_space<vmem>>) semaphore(%arg10 : memref<!tpu.dma_semaphore, #tpu.memory_space<semaphore_mem>>)
        %dma_start3A_256 = arith.constant 128 : i32
        %dma_start3A_257 = arith.constant 0 : i32
        %dma_start3A_258 = tpu.memref_slice %arg6[%dma_start3A_256, %dma_start3A_257] : memref<512x32xf32, #tpu.memory_space<vmem>> -> memref<128x32xf32, #tpu.memory_space<vmem>>
        %dma_start3A_259 = arith.constant 128 : i32
        %dma_start3A_260 = tpu.memref_slice %arg5[%add3A_246, %dma_start3A_259] : memref<50x512xi32, #tpu.memory_space<vmem>> -> memref<1x128xi32, #tpu.memory_space<vmem>>
        %dma_start3A_261 = tpu.memref_squeeze %dma_start3A_260 : memref<1x128xi32, #tpu.memory_space<vmem>> -> memref<128xi32, #tpu.memory_space<vmem>>
        %dma_start3A_262 = arith.constant 0 : i32
        %dma_start3A_263 = arith.constant 0 : i32
        %dma_start3A_264 = tpu.memref_slice %arg3[%dma_start3A_262, %dma_start3A_263] : memref<1000000x32xf32, #tpu.memory_space<hbm>> -> memref<1000000x32xf32, #tpu.memory_space<hbm>>
        tpu.enqueue_indirect_dma source(%dma_start3A_264 : memref<1000000x32xf32, #tpu.memory_space<hbm>>) target(%dma_start3A_258 : memref<128x32xf32, #tpu.memory_space<vmem>>) offsets(%dma_start3A_261 : memref<128xi32, #tpu.memory_space<vmem>>) semaphore(%arg10 : memref<!tpu.dma_semaphore, #tpu.memory_space<semaphore_mem>>)
        %dma_start3A_265 = arith.constant 256 : i32
        %dma_start3A_266 = arith.constant 0 : i32
        %dma_start3A_267 = tpu.memref_slice %arg6[%dma_start3A_265, %dma_start3A_266] : memref<512x32xf32, #tpu.memory_space<vmem>> -> memref<128x32xf32, #tpu.memory_space<vmem>>
        %dma_start3A_268 = arith.constant 256 : i32
        %dma_start3A_269 = tpu.memref_slice %arg5[%add3A_246, %dma_start3A_268] : memref<50x512xi32, #tpu.memory_space<vmem>> -> memref<1x128xi32, #tpu.memory_space<vmem>>
        %dma_start3A_270 = tpu.memref_squeeze %dma_start3A_269 : memref<1x128xi32, #tpu.memory_space<vmem>> -> memref<128xi32, #tpu.memory_space<vmem>>
        %dma_start3A_271 = arith.constant 0 : i32
        %dma_start3A_272 = arith.constant 0 : i32
        %dma_start3A_273 = tpu.memref_slice %arg3[%dma_start3A_271, %dma_start3A_272] : memref<1000000x32xf32, #tpu.memory_space<hbm>> -> memref<1000000x32xf32, #tpu.memory_space<hbm>>
        tpu.enqueue_indirect_dma source(%dma_start3A_273 : memref<1000000x32xf32, #tpu.memory_space<hbm>>) target(%dma_start3A_267 : memref<128x32xf32, #tpu.memory_space<vmem>>) offsets(%dma_start3A_270 : memref<128xi32, #tpu.memory_space<vmem>>) semaphore(%arg10 : memref<!tpu.dma_semaphore, #tpu.memory_space<semaphore_mem>>)
        %dma_start3A_274 = arith.constant 384 : i32
        %dma_start3A_275 = arith.constant 0 : i32
        %dma_start3A_276 = tpu.memref_slice %arg6[%dma_start3A_274, %dma_start3A_275] : memref<512x32xf32, #tpu.memory_space<vmem>> -> memref<128x32xf32, #tpu.memory_space<vmem>>
        %dma_start3A_277 = arith.constant 384 : i32
        %dma_start3A_278 = tpu.memref_slice %arg5[%add3A_246, %dma_start3A_277] : memref<50x512xi32, #tpu.memory_space<vmem>> -> memref<1x128xi32, #tpu.memory_space<vmem>>
        %dma_start3A_279 = tpu.memref_squeeze %dma_start3A_278 : memref<1x128xi32, #tpu.memory_space<vmem>> -> memref<128xi32, #tpu.memory_space<vmem>>
        %dma_start3A_280 = arith.constant 0 : i32
        %dma_start3A_281 = arith.constant 0 : i32
        %dma_start3A_282 = tpu.memref_slice %arg3[%dma_start3A_280, %dma_start3A_281] : memref<1000000x32xf32, #tpu.memory_space<hbm>> -> memref<1000000x32xf32, #tpu.memory_space<hbm>>
        tpu.enqueue_indirect_dma source(%dma_start3A_282 : memref<1000000x32xf32, #tpu.memory_space<hbm>>) target(%dma_start3A_276 : memref<128x32xf32, #tpu.memory_space<vmem>>) offsets(%dma_start3A_279 : memref<128xi32, #tpu.memory_space<vmem>>) semaphore(%arg10 : memref<!tpu.dma_semaphore, #tpu.memory_space<semaphore_mem>>)
      } else {
      }
      %mul3A_178 = arith.constant 2 : i32
      %mul3A_179 = arith.muli %mul3A_178, %scan3A_115 : i32
      %add3A_180 = arith.constant 1 : i32
      %add3A_181 = arith.addi %mul3A_179, %add3A_180 : i32
      %dma_wait3A_182 = arith.constant 0 : i32
      %dma_wait3A_183 = arith.constant 0 : i32
      %dma_wait3A_184 = tpu.memref_slice %arg7[%dma_wait3A_182, %dma_wait3A_183] : memref<512x32xf32, #tpu.memory_space<vmem>> -> memref<128x32xf32, #tpu.memory_space<vmem>>
      %dma_wait3A_185 = arith.constant 0 : i32
      %dma_wait3A_186 = tpu.memref_slice %arg5[%add3A_181, %dma_wait3A_185] : memref<50x512xi32, #tpu.memory_space<vmem>> -> memref<1x128xi32, #tpu.memory_space<vmem>>
      %dma_wait3A_187 = tpu.memref_squeeze %dma_wait3A_186 : memref<1x128xi32, #tpu.memory_space<vmem>> -> memref<128xi32, #tpu.memory_space<vmem>>
      %dma_wait3A_188 = arith.constant 0 : i32
      %dma_wait3A_189 = arith.constant 0 : i32
      %dma_wait3A_190 = tpu.memref_slice %arg3[%dma_wait3A_188, %dma_wait3A_189] : memref<1000000x32xf32, #tpu.memory_space<hbm>> -> memref<1000000x32xf32, #tpu.memory_space<hbm>>
      tpu.wait_indirect_dma semaphore(%arg11 : memref<!tpu.dma_semaphore, #tpu.memory_space<semaphore_mem>>) src(%dma_wait3A_190 : memref<1000000x32xf32, #tpu.memory_space<hbm>>) dst(%dma_wait3A_184 : memref<128x32xf32, #tpu.memory_space<vmem>>)
      %dma_wait3A_191 = arith.constant 128 : i32
      %dma_wait3A_192 = arith.constant 0 : i32
      %dma_wait3A_193 = tpu.memref_slice %arg7[%dma_wait3A_191, %dma_wait3A_192] : memref<512x32xf32, #tpu.memory_space<vmem>> -> memref<128x32xf32, #tpu.memory_space<vmem>>
      %dma_wait3A_194 = arith.constant 128 : i32
      %dma_wait3A_195 = tpu.memref_slice %arg5[%add3A_181, %dma_wait3A_194] : memref<50x512xi32, #tpu.memory_space<vmem>> -> memref<1x128xi32, #tpu.memory_space<vmem>>
      %dma_wait3A_196 = tpu.memref_squeeze %dma_wait3A_195 : memref<1x128xi32, #tpu.memory_space<vmem>> -> memref<128xi32, #tpu.memory_space<vmem>>
      %dma_wait3A_197 = arith.constant 0 : i32
      %dma_wait3A_198 = arith.constant 0 : i32
      %dma_wait3A_199 = tpu.memref_slice %arg3[%dma_wait3A_197, %dma_wait3A_198] : memref<1000000x32xf32, #tpu.memory_space<hbm>> -> memref<1000000x32xf32, #tpu.memory_space<hbm>>
      tpu.wait_indirect_dma semaphore(%arg11 : memref<!tpu.dma_semaphore, #tpu.memory_space<semaphore_mem>>) src(%dma_wait3A_199 : memref<1000000x32xf32, #tpu.memory_space<hbm>>) dst(%dma_wait3A_193 : memref<128x32xf32, #tpu.memory_space<vmem>>)
      %dma_wait3A_200 = arith.constant 256 : i32
      %dma_wait3A_201 = arith.constant 0 : i32
      %dma_wait3A_202 = tpu.memref_slice %arg7[%dma_wait3A_200, %dma_wait3A_201] : memref<512x32xf32, #tpu.memory_space<vmem>> -> memref<128x32xf32, #tpu.memory_space<vmem>>
      %dma_wait3A_203 = arith.constant 256 : i32
      %dma_wait3A_204 = tpu.memref_slice %arg5[%add3A_181, %dma_wait3A_203] : memref<50x512xi32, #tpu.memory_space<vmem>> -> memref<1x128xi32, #tpu.memory_space<vmem>>
      %dma_wait3A_205 = tpu.memref_squeeze %dma_wait3A_204 : memref<1x128xi32, #tpu.memory_space<vmem>> -> memref<128xi32, #tpu.memory_space<vmem>>
      %dma_wait3A_206 = arith.constant 0 : i32
      %dma_wait3A_207 = arith.constant 0 : i32
      %dma_wait3A_208 = tpu.memref_slice %arg3[%dma_wait3A_206, %dma_wait3A_207] : memref<1000000x32xf32, #tpu.memory_space<hbm>> -> memref<1000000x32xf32, #tpu.memory_space<hbm>>
      tpu.wait_indirect_dma semaphore(%arg11 : memref<!tpu.dma_semaphore, #tpu.memory_space<semaphore_mem>>) src(%dma_wait3A_208 : memref<1000000x32xf32, #tpu.memory_space<hbm>>) dst(%dma_wait3A_202 : memref<128x32xf32, #tpu.memory_space<vmem>>)
      %dma_wait3A_209 = arith.constant 384 : i32
      %dma_wait3A_210 = arith.constant 0 : i32
      %dma_wait3A_211 = tpu.memref_slice %arg7[%dma_wait3A_209, %dma_wait3A_210] : memref<512x32xf32, #tpu.memory_space<vmem>> -> memref<128x32xf32, #tpu.memory_space<vmem>>
      %dma_wait3A_212 = arith.constant 384 : i32
      %dma_wait3A_213 = tpu.memref_slice %arg5[%add3A_181, %dma_wait3A_212] : memref<50x512xi32, #tpu.memory_space<vmem>> -> memref<1x128xi32, #tpu.memory_space<vmem>>
      %dma_wait3A_214 = tpu.memref_squeeze %dma_wait3A_213 : memref<1x128xi32, #tpu.memory_space<vmem>> -> memref<128xi32, #tpu.memory_space<vmem>>
      %dma_wait3A_215 = arith.constant 0 : i32
      %dma_wait3A_216 = arith.constant 0 : i32
      %dma_wait3A_217 = tpu.memref_slice %arg3[%dma_wait3A_215, %dma_wait3A_216] : memref<1000000x32xf32, #tpu.memory_space<hbm>> -> memref<1000000x32xf32, #tpu.memory_space<hbm>>
      tpu.wait_indirect_dma semaphore(%arg11 : memref<!tpu.dma_semaphore, #tpu.memory_space<semaphore_mem>>) src(%dma_wait3A_217 : memref<1000000x32xf32, #tpu.memory_space<hbm>>) dst(%dma_wait3A_211 : memref<128x32xf32, #tpu.memory_space<vmem>>)
      %gt3A_218 = arith.constant 0 : i32
      %gt3A_219 = arith.cmpi sgt, %scan3A_115, %gt3A_218 : i32
      %convert_element_type3A_220 = arith.extui %gt3A_219 : i1 to i32
      %cond3A_221 = arith.constant 0 : i32
      %cond3A_222 = arith.cmpi ne, %convert_element_type3A_220, %cond3A_221 : i32
      scf.if %cond3A_222 {
        %sub3A = arith.constant 2 : i32
        %sub3A_245 = arith.subi %add3A_181, %sub3A : i32
        %dma_wait3A_246 = arith.constant 0 : i32
        %dma_wait3A_247 = arith.constant 0 : i32
        %dma_wait3A_248 = tpu.memref_slice %arg9[%dma_wait3A_246, %dma_wait3A_247] : memref<32x513xf32, #tpu.memory_space<vmem>> -> memref<32x512xf32, #tpu.memory_space<vmem>>
        %dma_wait3A_249 = arith.constant 0 : i32
        %dma_wait3A_250 = tpu.memref_slice %arg4[%sub3A_245, %dma_wait3A_249, %mul3A_2] : memref<50x32x16384xf32, #tpu.memory_space<hbm>> -> memref<1x32x512xf32, #tpu.memory_space<hbm>>
        %dma_wait3A_251 = tpu.memref_squeeze %dma_wait3A_250 : memref<1x32x512xf32, #tpu.memory_space<hbm>> -> memref<32x512xf32, #tpu.memory_space<hbm>>
        %dma_wait3A_252 = arith.constant 0 : i32
        %dma_wait3A_253 = tpu.memref_slice %arg4[%sub3A_245, %dma_wait3A_252, %mul3A_2] : memref<50x32x16384xf32, #tpu.memory_space<hbm>> -> memref<1x32x512xf32, #tpu.memory_space<hbm>>
        %dma_wait3A_254 = tpu.memref_squeeze %dma_wait3A_253 : memref<1x32x512xf32, #tpu.memory_space<hbm>> -> memref<32x512xf32, #tpu.memory_space<hbm>>
        %dma_wait3A_255 = arith.constant 0 : i32
        %dma_wait3A_256 = arith.constant 0 : i32
        %dma_wait3A_257 = tpu.memref_slice %arg9[%dma_wait3A_255, %dma_wait3A_256] : memref<32x513xf32, #tpu.memory_space<vmem>> -> memref<32x512xf32, #tpu.memory_space<vmem>>
        tpu.wait_dma2 semaphore(%arg13 : memref<!tpu.dma_semaphore, #tpu.memory_space<semaphore_mem>>) src(%dma_wait3A_257 : memref<32x512xf32, #tpu.memory_space<vmem>>) dst(%dma_wait3A_254 : memref<32x512xf32, #tpu.memory_space<hbm>>)
      } else {
      }
      %parallel_loop3A_223 = arith.constant 0 : i32
      %parallel_loop3A_224 = arith.constant 512 : i32
      %parallel_loop3A_225 = arith.constant 8 : i32
      scf.for %parallel_loop3A_245 = %parallel_loop3A_223 to %parallel_loop3A_224 step %parallel_loop3A_225  : i32 {
        %parallel_loop3A_246 = arith.constant 0 : i32
        %parallel_loop3A_247 = arith.addi %parallel_loop3A_245, %parallel_loop3A_246 : i32
        %parallel_loop3A_248 = vector.broadcast %parallel_loop3A_247 : i32 to vector<16xi32>
        %parallel_loop3A_249 = arith.constant 0 : i32
        %parallel_loop3A_250 = arith.addi %parallel_loop3A_245, %parallel_loop3A_249 : i32
        %parallel_loop3A_251 = arith.index_cast %parallel_loop3A_250 : i32 to index
        %parallel_loop3A_252 = arith.constant 0 : index
        %parallel_loop3A_253 = tpu.vector_load %arg7[%parallel_loop3A_251, %parallel_loop3A_252] {strides = array<i32>} : memref<512x32xf32, #tpu.memory_space<vmem>>, vector<16xf32>,
        %parallel_loop3A_254 = arith.constant 0 : i32
        %parallel_loop3A_255 = arith.addi %parallel_loop3A_245, %parallel_loop3A_254 : i32
        %parallel_loop3A_256 = arith.index_cast %parallel_loop3A_255 : i32 to index
        %parallel_loop3A_257 = arith.constant 16 : index
        %parallel_loop3A_258 = tpu.vector_load %arg7[%parallel_loop3A_256, %parallel_loop3A_257] {strides = array<i32>} : memref<512x32xf32, #tpu.memory_space<vmem>>, vector<16xf32>,
        tpu.vector_store_idx %arg9[%iota3A, %parallel_loop3A_248], %parallel_loop3A_253 : memref<32x513xf32, #tpu.memory_space<vmem>>[vector<16xi32>, vector<16xi32>], vector<16xf32>,
        tpu.vector_store_idx %arg9[%add3A_5, %parallel_loop3A_248], %parallel_loop3A_258 : memref<32x513xf32, #tpu.memory_space<vmem>>[vector<16xi32>, vector<16xi32>], vector<16xf32>,
        %parallel_loop3A_259 = arith.constant 1 : i32
        %parallel_loop3A_260 = arith.addi %parallel_loop3A_245, %parallel_loop3A_259 : i32
        %parallel_loop3A_261 = vector.broadcast %parallel_loop3A_260 : i32 to vector<16xi32>
        %parallel_loop3A_262 = arith.constant 1 : i32
        %parallel_loop3A_263 = arith.addi %parallel_loop3A_245, %parallel_loop3A_262 : i32
        %parallel_loop3A_264 = arith.index_cast %parallel_loop3A_263 : i32 to index
        %parallel_loop3A_265 = arith.constant 0 : index
        %parallel_loop3A_266 = tpu.vector_load %arg7[%parallel_loop3A_264, %parallel_loop3A_265] {strides = array<i32>} : memref<512x32xf32, #tpu.memory_space<vmem>>, vector<16xf32>,
        %parallel_loop3A_267 = arith.constant 1 : i32
        %parallel_loop3A_268 = arith.addi %parallel_loop3A_245, %parallel_loop3A_267 : i32
        %parallel_loop3A_269 = arith.index_cast %parallel_loop3A_268 : i32 to index
        %parallel_loop3A_270 = arith.constant 16 : index
        %parallel_loop3A_271 = tpu.vector_load %arg7[%parallel_loop3A_269, %parallel_loop3A_270] {strides = array<i32>} : memref<512x32xf32, #tpu.memory_space<vmem>>, vector<16xf32>,
        tpu.vector_store_idx %arg9[%iota3A, %parallel_loop3A_261], %parallel_loop3A_266 : memref<32x513xf32, #tpu.memory_space<vmem>>[vector<16xi32>, vector<16xi32>], vector<16xf32>,
        tpu.vector_store_idx %arg9[%add3A_5, %parallel_loop3A_261], %parallel_loop3A_271 : memref<32x513xf32, #tpu.memory_space<vmem>>[vector<16xi32>, vector<16xi32>], vector<16xf32>,
        %parallel_loop3A_272 = arith.constant 2 : i32
        %parallel_loop3A_273 = arith.addi %parallel_loop3A_245, %parallel_loop3A_272 : i32
        %parallel_loop3A_274 = vector.broadcast %parallel_loop3A_273 : i32 to vector<16xi32>
        %parallel_loop3A_275 = arith.constant 2 : i32
        %parallel_loop3A_276 = arith.addi %parallel_loop3A_245, %parallel_loop3A_275 : i32
        %parallel_loop3A_277 = arith.index_cast %parallel_loop3A_276 : i32 to index
        %parallel_loop3A_278 = arith.constant 0 : index
        %parallel_loop3A_279 = tpu.vector_load %arg7[%parallel_loop3A_277, %parallel_loop3A_278] {strides = array<i32>} : memref<512x32xf32, #tpu.memory_space<vmem>>, vector<16xf32>,
        %parallel_loop3A_280 = arith.constant 2 : i32
        %parallel_loop3A_281 = arith.addi %parallel_loop3A_245, %parallel_loop3A_280 : i32
        %parallel_loop3A_282 = arith.index_cast %parallel_loop3A_281 : i32 to index
        %parallel_loop3A_283 = arith.constant 16 : index
        %parallel_loop3A_284 = tpu.vector_load %arg7[%parallel_loop3A_282, %parallel_loop3A_283] {strides = array<i32>} : memref<512x32xf32, #tpu.memory_space<vmem>>, vector<16xf32>,
        tpu.vector_store_idx %arg9[%iota3A, %parallel_loop3A_274], %parallel_loop3A_279 : memref<32x513xf32, #tpu.memory_space<vmem>>[vector<16xi32>, vector<16xi32>], vector<16xf32>,
        tpu.vector_store_idx %arg9[%add3A_5, %parallel_loop3A_274], %parallel_loop3A_284 : memref<32x513xf32, #tpu.memory_space<vmem>>[vector<16xi32>, vector<16xi32>], vector<16xf32>,
        %parallel_loop3A_285 = arith.constant 3 : i32
        %parallel_loop3A_286 = arith.addi %parallel_loop3A_245, %parallel_loop3A_285 : i32
        %parallel_loop3A_287 = vector.broadcast %parallel_loop3A_286 : i32 to vector<16xi32>
        %parallel_loop3A_288 = arith.constant 3 : i32
        %parallel_loop3A_289 = arith.addi %parallel_loop3A_245, %parallel_loop3A_288 : i32
        %parallel_loop3A_290 = arith.index_cast %parallel_loop3A_289 : i32 to index
        %parallel_loop3A_291 = arith.constant 0 : index
        %parallel_loop3A_292 = tpu.vector_load %arg7[%parallel_loop3A_290, %parallel_loop3A_291] {strides = array<i32>} : memref<512x32xf32, #tpu.memory_space<vmem>>, vector<16xf32>,
        %parallel_loop3A_293 = arith.constant 3 : i32
        %parallel_loop3A_294 = arith.addi %parallel_loop3A_245, %parallel_loop3A_293 : i32
        %parallel_loop3A_295 = arith.index_cast %parallel_loop3A_294 : i32 to index
        %parallel_loop3A_296 = arith.constant 16 : index
        %parallel_loop3A_297 = tpu.vector_load %arg7[%parallel_loop3A_295, %parallel_loop3A_296] {strides = array<i32>} : memref<512x32xf32, #tpu.memory_space<vmem>>, vector<16xf32>,
        tpu.vector_store_idx %arg9[%iota3A, %parallel_loop3A_287], %parallel_loop3A_292 : memref<32x513xf32, #tpu.memory_space<vmem>>[vector<16xi32>, vector<16xi32>], vector<16xf32>,
        tpu.vector_store_idx %arg9[%add3A_5, %parallel_loop3A_287], %parallel_loop3A_297 : memref<32x513xf32, #tpu.memory_space<vmem>>[vector<16xi32>, vector<16xi32>], vector<16xf32>,
        %parallel_loop3A_298 = arith.constant 4 : i32
        %parallel_loop3A_299 = arith.addi %parallel_loop3A_245, %parallel_loop3A_298 : i32
        %parallel_loop3A_300 = vector.broadcast %parallel_loop3A_299 : i32 to vector<16xi32>
        %parallel_loop3A_301 = arith.constant 4 : i32
        %parallel_loop3A_302 = arith.addi %parallel_loop3A_245, %parallel_loop3A_301 : i32
        %parallel_loop3A_303 = arith.index_cast %parallel_loop3A_302 : i32 to index
        %parallel_loop3A_304 = arith.constant 0 : index
        %parallel_loop3A_305 = tpu.vector_load %arg7[%parallel_loop3A_303, %parallel_loop3A_304] {strides = array<i32>} : memref<512x32xf32, #tpu.memory_space<vmem>>, vector<16xf32>,
        %parallel_loop3A_306 = arith.constant 4 : i32
        %parallel_loop3A_307 = arith.addi %parallel_loop3A_245, %parallel_loop3A_306 : i32
        %parallel_loop3A_308 = arith.index_cast %parallel_loop3A_307 : i32 to index
        %parallel_loop3A_309 = arith.constant 16 : index
        %parallel_loop3A_310 = tpu.vector_load %arg7[%parallel_loop3A_308, %parallel_loop3A_309] {strides = array<i32>} : memref<512x32xf32, #tpu.memory_space<vmem>>, vector<16xf32>,
        tpu.vector_store_idx %arg9[%iota3A, %parallel_loop3A_300], %parallel_loop3A_305 : memref<32x513xf32, #tpu.memory_space<vmem>>[vector<16xi32>, vector<16xi32>], vector<16xf32>,
        tpu.vector_store_idx %arg9[%add3A_5, %parallel_loop3A_300], %parallel_loop3A_310 : memref<32x513xf32, #tpu.memory_space<vmem>>[vector<16xi32>, vector<16xi32>], vector<16xf32>,
        %parallel_loop3A_311 = arith.constant 5 : i32
        %parallel_loop3A_312 = arith.addi %parallel_loop3A_245, %parallel_loop3A_311 : i32
        %parallel_loop3A_313 = vector.broadcast %parallel_loop3A_312 : i32 to vector<16xi32>
        %parallel_loop3A_314 = arith.constant 5 : i32
        %parallel_loop3A_315 = arith.addi %parallel_loop3A_245, %parallel_loop3A_314 : i32
        %parallel_loop3A_316 = arith.index_cast %parallel_loop3A_315 : i32 to index
        %parallel_loop3A_317 = arith.constant 0 : index
        %parallel_loop3A_318 = tpu.vector_load %arg7[%parallel_loop3A_316, %parallel_loop3A_317] {strides = array<i32>} : memref<512x32xf32, #tpu.memory_space<vmem>>, vector<16xf32>,
        %parallel_loop3A_319 = arith.constant 5 : i32
        %parallel_loop3A_320 = arith.addi %parallel_loop3A_245, %parallel_loop3A_319 : i32
        %parallel_loop3A_321 = arith.index_cast %parallel_loop3A_320 : i32 to index
        %parallel_loop3A_322 = arith.constant 16 : index
        %parallel_loop3A_323 = tpu.vector_load %arg7[%parallel_loop3A_321, %parallel_loop3A_322] {strides = array<i32>} : memref<512x32xf32, #tpu.memory_space<vmem>>, vector<16xf32>,
        tpu.vector_store_idx %arg9[%iota3A, %parallel_loop3A_313], %parallel_loop3A_318 : memref<32x513xf32, #tpu.memory_space<vmem>>[vector<16xi32>, vector<16xi32>], vector<16xf32>,
        tpu.vector_store_idx %arg9[%add3A_5, %parallel_loop3A_313], %parallel_loop3A_323 : memref<32x513xf32, #tpu.memory_space<vmem>>[vector<16xi32>, vector<16xi32>], vector<16xf32>,
        %parallel_loop3A_324 = arith.constant 6 : i32
        %parallel_loop3A_325 = arith.addi %parallel_loop3A_245, %parallel_loop3A_324 : i32
        %parallel_loop3A_326 = vector.broadcast %parallel_loop3A_325 : i32 to vector<16xi32>
        %parallel_loop3A_327 = arith.constant 6 : i32
        %parallel_loop3A_328 = arith.addi %parallel_loop3A_245, %parallel_loop3A_327 : i32
        %parallel_loop3A_329 = arith.index_cast %parallel_loop3A_328 : i32 to index
        %parallel_loop3A_330 = arith.constant 0 : index
        %parallel_loop3A_331 = tpu.vector_load %arg7[%parallel_loop3A_329, %parallel_loop3A_330] {strides = array<i32>} : memref<512x32xf32, #tpu.memory_space<vmem>>, vector<16xf32>,
        %parallel_loop3A_332 = arith.constant 6 : i32
        %parallel_loop3A_333 = arith.addi %parallel_loop3A_245, %parallel_loop3A_332 : i32
        %parallel_loop3A_334 = arith.index_cast %parallel_loop3A_333 : i32 to index
        %parallel_loop3A_335 = arith.constant 16 : index
        %parallel_loop3A_336 = tpu.vector_load %arg7[%parallel_loop3A_334, %parallel_loop3A_335] {strides = array<i32>} : memref<512x32xf32, #tpu.memory_space<vmem>>, vector<16xf32>,
        tpu.vector_store_idx %arg9[%iota3A, %parallel_loop3A_326], %parallel_loop3A_331 : memref<32x513xf32, #tpu.memory_space<vmem>>[vector<16xi32>, vector<16xi32>], vector<16xf32>,
        tpu.vector_store_idx %arg9[%add3A_5, %parallel_loop3A_326], %parallel_loop3A_336 : memref<32x513xf32, #tpu.memory_space<vmem>>[vector<16xi32>, vector<16xi32>], vector<16xf32>,
        %parallel_loop3A_337 = arith.constant 7 : i32
        %parallel_loop3A_338 = arith.addi %parallel_loop3A_245, %parallel_loop3A_337 : i32
        %parallel_loop3A_339 = vector.broadcast %parallel_loop3A_338 : i32 to vector<16xi32>
        %parallel_loop3A_340 = arith.constant 7 : i32
        %parallel_loop3A_341 = arith.addi %parallel_loop3A_245, %parallel_loop3A_340 : i32
        %parallel_loop3A_342 = arith.index_cast %parallel_loop3A_341 : i32 to index
        %parallel_loop3A_343 = arith.constant 0 : index
        %parallel_loop3A_344 = tpu.vector_load %arg7[%parallel_loop3A_342, %parallel_loop3A_343] {strides = array<i32>} : memref<512x32xf32, #tpu.memory_space<vmem>>, vector<16xf32>,
        %parallel_loop3A_345 = arith.constant 7 : i32
        %parallel_loop3A_346 = arith.addi %parallel_loop3A_245, %parallel_loop3A_345 : i32
        %parallel_loop3A_347 = arith.index_cast %parallel_loop3A_346 : i32 to index
        %parallel_loop3A_348 = arith.constant 16 : index
        %parallel_loop3A_349 = tpu.vector_load %arg7[%parallel_loop3A_347, %parallel_loop3A_348] {strides = array<i32>} : memref<512x32xf32, #tpu.memory_space<vmem>>, vector<16xf32>,
        tpu.vector_store_idx %arg9[%iota3A, %parallel_loop3A_339], %parallel_loop3A_344 : memref<32x513xf32, #tpu.memory_space<vmem>>[vector<16xi32>, vector<16xi32>], vector<16xf32>,
        tpu.vector_store_idx %arg9[%add3A_5, %parallel_loop3A_339], %parallel_loop3A_349 : memref<32x513xf32, #tpu.memory_space<vmem>>[vector<16xi32>, vector<16xi32>], vector<16xf32>,
      } {sc.loop_unroll_factor = 2 : i64, sc.parallel_access}
      %dma_start3A_226 = arith.constant 0 : i32
      %dma_start3A_227 = arith.constant 0 : i32
      %dma_start3A_228 = tpu.memref_slice %arg9[%dma_start3A_226, %dma_start3A_227] : memref<32x513xf32, #tpu.memory_space<vmem>> -> memref<32x512xf32, #tpu.memory_space<vmem>>
      %dma_start3A_229 = arith.constant 0 : i32
      %dma_start3A_230 = tpu.memref_slice %arg4[%add3A_181, %dma_start3A_229, %mul3A_2] : memref<50x32x16384xf32, #tpu.memory_space<hbm>> -> memref<1x32x512xf32, #tpu.memory_space<hbm>>
      %dma_start3A_231 = tpu.memref_squeeze %dma_start3A_230 : memref<1x32x512xf32, #tpu.memory_space<hbm>> -> memref<32x512xf32, #tpu.memory_space<hbm>>
      %dma_start3A_232 = arith.constant 0 : i32
      %dma_start3A_233 = tpu.memref_slice %arg4[%add3A_181, %dma_start3A_232, %mul3A_2] : memref<50x32x16384xf32, #tpu.memory_space<hbm>> -> memref<1x32x512xf32, #tpu.memory_space<hbm>>
      %dma_start3A_234 = tpu.memref_squeeze %dma_start3A_233 : memref<1x32x512xf32, #tpu.memory_space<hbm>> -> memref<32x512xf32, #tpu.memory_space<hbm>>
      %dma_start3A_235 = arith.constant 0 : i32
      %dma_start3A_236 = arith.constant 0 : i32
      %dma_start3A_237 = tpu.memref_slice %arg9[%dma_start3A_235, %dma_start3A_236] : memref<32x513xf32, #tpu.memory_space<vmem>> -> memref<32x512xf32, #tpu.memory_space<vmem>>
      tpu.enqueue_dma source(%dma_start3A_237 : memref<32x512xf32, #tpu.memory_space<vmem>>) target(%dma_start3A_234 : memref<32x512xf32, #tpu.memory_space<hbm>>) target_semaphore(%arg13 : memref<!tpu.dma_semaphore, #tpu.memory_space<semaphore_mem>>)
      %add3A_238 = arith.constant 1 : i32
      %add3A_239 = arith.addi %scan3A_115, %add3A_238 : i32
      %lt3A_240 = arith.constant 25 : i32
      %lt3A_241 = arith.cmpi slt, %add3A_239, %lt3A_240 : i32
      %convert_element_type3A_242 = arith.extui %lt3A_241 : i1 to i32
      %cond3A_243 = arith.constant 0 : i32
      %cond3A_244 = arith.cmpi ne, %convert_element_type3A_242, %cond3A_243 : i32
      scf.if %cond3A_244 {
        %add3A_245 = arith.constant 2 : i32
        %add3A_246 = arith.addi %add3A_181, %add3A_245 : i32
        %dma_start3A_247 = arith.constant 0 : i32
        %dma_start3A_248 = arith.constant 0 : i32
        %dma_start3A_249 = tpu.memref_slice %arg7[%dma_start3A_247, %dma_start3A_248] : memref<512x32xf32, #tpu.memory_space<vmem>> -> memref<128x32xf32, #tpu.memory_space<vmem>>
        %dma_start3A_250 = arith.constant 0 : i32
        %dma_start3A_251 = tpu.memref_slice %arg5[%add3A_246, %dma_start3A_250] : memref<50x512xi32, #tpu.memory_space<vmem>> -> memref<1x128xi32, #tpu.memory_space<vmem>>
        %dma_start3A_252 = tpu.memref_squeeze %dma_start3A_251 : memref<1x128xi32, #tpu.memory_space<vmem>> -> memref<128xi32, #tpu.memory_space<vmem>>
        %dma_start3A_253 = arith.constant 0 : i32
        %dma_start3A_254 = arith.constant 0 : i32
        %dma_start3A_255 = tpu.memref_slice %arg3[%dma_start3A_253, %dma_start3A_254] : memref<1000000x32xf32, #tpu.memory_space<hbm>> -> memref<1000000x32xf32, #tpu.memory_space<hbm>>
        tpu.enqueue_indirect_dma source(%dma_start3A_255 : memref<1000000x32xf32, #tpu.memory_space<hbm>>) target(%dma_start3A_249 : memref<128x32xf32, #tpu.memory_space<vmem>>) offsets(%dma_start3A_252 : memref<128xi32, #tpu.memory_space<vmem>>) semaphore(%arg11 : memref<!tpu.dma_semaphore, #tpu.memory_space<semaphore_mem>>)
        %dma_start3A_256 = arith.constant 128 : i32
        %dma_start3A_257 = arith.constant 0 : i32
        %dma_start3A_258 = tpu.memref_slice %arg7[%dma_start3A_256, %dma_start3A_257] : memref<512x32xf32, #tpu.memory_space<vmem>> -> memref<128x32xf32, #tpu.memory_space<vmem>>
        %dma_start3A_259 = arith.constant 128 : i32
        %dma_start3A_260 = tpu.memref_slice %arg5[%add3A_246, %dma_start3A_259] : memref<50x512xi32, #tpu.memory_space<vmem>> -> memref<1x128xi32, #tpu.memory_space<vmem>>
        %dma_start3A_261 = tpu.memref_squeeze %dma_start3A_260 : memref<1x128xi32, #tpu.memory_space<vmem>> -> memref<128xi32, #tpu.memory_space<vmem>>
        %dma_start3A_262 = arith.constant 0 : i32
        %dma_start3A_263 = arith.constant 0 : i32
        %dma_start3A_264 = tpu.memref_slice %arg3[%dma_start3A_262, %dma_start3A_263] : memref<1000000x32xf32, #tpu.memory_space<hbm>> -> memref<1000000x32xf32, #tpu.memory_space<hbm>>
        tpu.enqueue_indirect_dma source(%dma_start3A_264 : memref<1000000x32xf32, #tpu.memory_space<hbm>>) target(%dma_start3A_258 : memref<128x32xf32, #tpu.memory_space<vmem>>) offsets(%dma_start3A_261 : memref<128xi32, #tpu.memory_space<vmem>>) semaphore(%arg11 : memref<!tpu.dma_semaphore, #tpu.memory_space<semaphore_mem>>)
        %dma_start3A_265 = arith.constant 256 : i32
        %dma_start3A_266 = arith.constant 0 : i32
        %dma_start3A_267 = tpu.memref_slice %arg7[%dma_start3A_265, %dma_start3A_266] : memref<512x32xf32, #tpu.memory_space<vmem>> -> memref<128x32xf32, #tpu.memory_space<vmem>>
        %dma_start3A_268 = arith.constant 256 : i32
        %dma_start3A_269 = tpu.memref_slice %arg5[%add3A_246, %dma_start3A_268] : memref<50x512xi32, #tpu.memory_space<vmem>> -> memref<1x128xi32, #tpu.memory_space<vmem>>
        %dma_start3A_270 = tpu.memref_squeeze %dma_start3A_269 : memref<1x128xi32, #tpu.memory_space<vmem>> -> memref<128xi32, #tpu.memory_space<vmem>>
        %dma_start3A_271 = arith.constant 0 : i32
        %dma_start3A_272 = arith.constant 0 : i32
        %dma_start3A_273 = tpu.memref_slice %arg3[%dma_start3A_271, %dma_start3A_272] : memref<1000000x32xf32, #tpu.memory_space<hbm>> -> memref<1000000x32xf32, #tpu.memory_space<hbm>>
        tpu.enqueue_indirect_dma source(%dma_start3A_273 : memref<1000000x32xf32, #tpu.memory_space<hbm>>) target(%dma_start3A_267 : memref<128x32xf32, #tpu.memory_space<vmem>>) offsets(%dma_start3A_270 : memref<128xi32, #tpu.memory_space<vmem>>) semaphore(%arg11 : memref<!tpu.dma_semaphore, #tpu.memory_space<semaphore_mem>>)
        %dma_start3A_274 = arith.constant 384 : i32
        %dma_start3A_275 = arith.constant 0 : i32
        %dma_start3A_276 = tpu.memref_slice %arg7[%dma_start3A_274, %dma_start3A_275] : memref<512x32xf32, #tpu.memory_space<vmem>> -> memref<128x32xf32, #tpu.memory_space<vmem>>
        %dma_start3A_277 = arith.constant 384 : i32
        %dma_start3A_278 = tpu.memref_slice %arg5[%add3A_246, %dma_start3A_277] : memref<50x512xi32, #tpu.memory_space<vmem>> -> memref<1x128xi32, #tpu.memory_space<vmem>>
        %dma_start3A_279 = tpu.memref_squeeze %dma_start3A_278 : memref<1x128xi32, #tpu.memory_space<vmem>> -> memref<128xi32, #tpu.memory_space<vmem>>
        %dma_start3A_280 = arith.constant 0 : i32
        %dma_start3A_281 = arith.constant 0 : i32
        %dma_start3A_282 = tpu.memref_slice %arg3[%dma_start3A_280, %dma_start3A_281] : memref<1000000x32xf32, #tpu.memory_space<hbm>> -> memref<1000000x32xf32, #tpu.memory_space<hbm>>
        tpu.enqueue_indirect_dma source(%dma_start3A_282 : memref<1000000x32xf32, #tpu.memory_space<hbm>>) target(%dma_start3A_276 : memref<128x32xf32, #tpu.memory_space<vmem>>) offsets(%dma_start3A_279 : memref<128xi32, #tpu.memory_space<vmem>>) semaphore(%arg11 : memref<!tpu.dma_semaphore, #tpu.memory_space<semaphore_mem>>)
      } else {
      }
    }
    %scan3A_89 = arith.constant 25 : i32
    %dma_wait3A = arith.constant 48 : i32
    %dma_wait3A_90 = arith.constant 0 : i32
    %dma_wait3A_91 = arith.constant 0 : i32
    %dma_wait3A_92 = tpu.memref_slice %arg8[%dma_wait3A_90, %dma_wait3A_91] : memref<32x513xf32, #tpu.memory_space<vmem>> -> memref<32x512xf32, #tpu.memory_space<vmem>>
    %dma_wait3A_93 = arith.constant 0 : i32
    %dma_wait3A_94 = tpu.memref_slice %arg4[%dma_wait3A, %dma_wait3A_93, %mul3A_2] : memref<50x32x16384xf32, #tpu.memory_space<hbm>> -> memref<1x32x512xf32, #tpu.memory_space<hbm>>
    %dma_wait3A_95 = tpu.memref_squeeze %dma_wait3A_94 : memref<1x32x512xf32, #tpu.memory_space<hbm>> -> memref<32x512xf32, #tpu.memory_space<hbm>>
    %dma_wait3A_96 = arith.constant 0 : i32
    %dma_wait3A_97 = tpu.memref_slice %arg4[%dma_wait3A, %dma_wait3A_96, %mul3A_2] : memref<50x32x16384xf32, #tpu.memory_space<hbm>> -> memref<1x32x512xf32, #tpu.memory_space<hbm>>
    %dma_wait3A_98 = tpu.memref_squeeze %dma_wait3A_97 : memref<1x32x512xf32, #tpu.memory_space<hbm>> -> memref<32x512xf32, #tpu.memory_space<hbm>>
    %dma_wait3A_99 = arith.constant 0 : i32
    %dma_wait3A_100 = arith.constant 0 : i32
    %dma_wait3A_101 = tpu.memref_slice %arg8[%dma_wait3A_99, %dma_wait3A_100] : memref<32x513xf32, #tpu.memory_space<vmem>> -> memref<32x512xf32, #tpu.memory_space<vmem>>
    tpu.wait_dma2 semaphore(%arg12 : memref<!tpu.dma_semaphore, #tpu.memory_space<semaphore_mem>>) src(%dma_wait3A_101 : memref<32x512xf32, #tpu.memory_space<vmem>>) dst(%dma_wait3A_98 : memref<32x512xf32, #tpu.memory_space<hbm>>)
    %dma_wait3A_102 = arith.constant 49 : i32
    %dma_wait3A_103 = arith.constant 0 : i32
    %dma_wait3A_104 = arith.constant 0 : i32
    %dma_wait3A_105 = tpu.memref_slice %arg9[%dma_wait3A_103, %dma_wait3A_104] : memref<32x513xf32, #tpu.memory_space<vmem>> -> memref<32x512xf32, #tpu.memory_space<vmem>>
    %dma_wait3A_106 = arith.constant 0 : i32
    %dma_wait3A_107 = tpu.memref_slice %arg4[%dma_wait3A_102, %dma_wait3A_106, %mul3A_2] : memref<50x32x16384xf32, #tpu.memory_space<hbm>> -> memref<1x32x512xf32, #tpu.memory_space<hbm>>
    %dma_wait3A_108 = tpu.memref_squeeze %dma_wait3A_107 : memref<1x32x512xf32, #tpu.memory_space<hbm>> -> memref<32x512xf32, #tpu.memory_space<hbm>>
    %dma_wait3A_109 = arith.constant 0 : i32
    %dma_wait3A_110 = tpu.memref_slice %arg4[%dma_wait3A_102, %dma_wait3A_109, %mul3A_2] : memref<50x32x16384xf32, #tpu.memory_space<hbm>> -> memref<1x32x512xf32, #tpu.memory_space<hbm>>
    %dma_wait3A_111 = tpu.memref_squeeze %dma_wait3A_110 : memref<1x32x512xf32, #tpu.memory_space<hbm>> -> memref<32x512xf32, #tpu.memory_space<hbm>>
    %dma_wait3A_112 = arith.constant 0 : i32
    %dma_wait3A_113 = arith.constant 0 : i32
    %dma_wait3A_114 = tpu.memref_slice %arg9[%dma_wait3A_112, %dma_wait3A_113] : memref<32x513xf32, #tpu.memory_space<vmem>> -> memref<32x512xf32, #tpu.memory_space<vmem>>
    tpu.wait_dma2 semaphore(%arg13 : memref<!tpu.dma_semaphore, #tpu.memory_space<semaphore_mem>>) src(%dma_wait3A_114 : memref<32x512xf32, #tpu.memory_space<vmem>>) dst(%dma_wait3A_111 : memref<32x512xf32, #tpu.memory_space<hbm>>)
    return
  }
}

</mosaic_0001>

<sc_bundles>
// kernel: kernel.3.cloned.1.call-start
scs
__scs_entry_jumppad:
0x0: {  	(pc) =	sbr.rel $0x88, $3  }
0x1: {  	(tag) =	ssettag $0x0;
	lr =	simm.s32 $0x1  }
0x2: {  	[smem:$0x3F9F] =	sst lr;
	_ =	strace $0xD0000000  }
0x3: {  	_ = 	snop  }
0x4: {  	_ = 	snop  }
0x5: {  	_ = 	snop  }
0x6: {  	_ = 	snop  }
0x7: {  	_ = 	snop  }
__scs_overlays_trampoline_lowered:
0x8: {  	[smem:$0x3FAE] =	sst s0  }
0x9: {  	[smem:$0x3FAF] =	sst s1  }
0xa: {  	[smem:$0x3FB0] =	sst s2  }
0xb: {  	[smem:$0x3FB1] =	sst s3  }
0xc: {  	[smem:$0x3FB2] =	sst s4  }
0xd: {  	[smem:$0x3FB3] =	sst s5  }
0xe: {  	[smem:$0x3FB4] =	sst s6  }
0xf: {  	[smem:$0x3FB5] =	sst s7  }
0x10: {  	[smem:$0x3FB6] =	sst s8  }
0x11: {  	[smem:$0x3FB7] =	sst s9;
	s0 =	simm.s32 @!p0 $0x0  }
0x12: {  	s1 =	sld [smem:$0x3F9D];
	s0 =	simm.s32 @p0 $0x1  }
0x13: {  	[smem:$0x3FB8] =	sst s0;
	s0 =	simm.s32 @!p1 $0x0  }
0x14: {  	s2 =	sld [smem:$0x3F9C];
	s0 =	simm.s32 @p1 $0x1  }
0x15: {  	[smem:$0x3FB9] =	sst s0;
	s0 =	simm.s32 @!p2 $0x0  }
0x16: {  	s3 =	sld [smem:$0x3FDB];
	s0 =	simm.s32 @p2 $0x1  }
0x17: {  	s4 =	simm.s32 $0x1BF5;
	[smem:$0x3FBB] =	sst s0  }
0x18: {  	s0 =	sld [smem:$0x3F9E];
	_ =	swait.ge [sflag:s4], $0x0  }
0x19: {  	s7 =	sld [smem:$0x3F9F]  }
0x1a: {  	s8 =	sadd.s32 $0xFFFFE003, lr  }
0x1b: {  	s9 =	sadd.s32 $0xFFFFFEF7, lr;
	s5 =	simm.s32 $0xFFFFFFFF;
	p2 =	slt.u32 s8, $0xFFFFF086  }
0x1c: {  	p1 =	slt.u32 s9, $0xF7A;
	s5 =	simm.s32 @!p2 $0x0  }
0x1d: {  	s5 =	simm.s32 @p1 $0x1;
	p0 =	seq.s32 s7, s2  }
0x1e: {  	s7 =	smul.u32 @!p0 $0xF7A, s2;
	p2 =	seq.s32 @!p0 s5, $0x0  }
0x1f: {  	s9 =	smul.u32 $0xF7A, s1;
	s8 =	simm.s32 @!p0 $0x1BF5;
	p2 =	por !p2, p0  }
0x20: {  	[sflag:s8] =	ssyncset.s32 @!p0 $0xFFFFF086;
	s6 =	sadd.s32 @!p0 s3, s7;
	s7 =	simm.s32 @!p0 $0x108  }
0x21: {  	s3 =	sadd.s32 s3, s9;
	s6 =	sadd.s32 @!p0 $0x88, s6;
	s7 =	simm.s32 @p2 $0x1082  }
0x22: {  	[simem:s7], [sflag:s8] =	dma.local @!p0 [hbm:s6], $0xF7A  }
0x23: {  	s9 =	sor.u32 $0xD0000000, s2;
	s6 =	simm.s32 $0x108;
	_ =	swait.ge @!p0 [sflag:s8], $0x0  }
0x24: {  	s3 =	sadd.s32 $0x88, s3;
	s6 =	simm.s32 @!p1 $0x1082;
	[sflag:s4] =	ssyncset.s32 $0xFFFFF086  }
0x25: {  	[simem:s6], [sflag:s4] =	dma.local [hbm:s3], $0xF7A  }
0x26: {  	[smem:$0x3F9F] =	sst s1;
	(tag) =	ssettag s2;
	_ =	strace s9  }
0x27: {  	s1 =	sld [smem:$0x3FAF]  }
0x28: {  	s2 =	sld [smem:$0x3FB0]  }
0x29: {  	s4 =	sld [smem:$0x3FB2]  }
0x2a: {  	p0 =	seq.s32 s5, $0x0;
	s5 =	sld [smem:$0x3FB3]  }
0x2b: {  	s6 =	sld [smem:$0x3FB4]  }
0x2c: {  	s7 =	sld [smem:$0x3FB5]  }
0x2d: {  	s3 =	simm.s32 $0x108;
	s8 =	sld [smem:$0x3FB6]  }
0x2e: {  	s3 =	simm.s32 @!p0 $0x1082;
	s9 =	sld [smem:$0x3FB7]  }
0x2f: {  	lr =	sadd.s32 s0, s3;
	s0 =	sld [smem:$0x3FAE]  }
0x30: {  	s3 =	sld [smem:$0x3FB1]  }
0x31: {  	[smem:$0x3FBA] =	sst s10  }
0x32: {  	s10 =	sld [smem:$0x3FB8];
	_ =	sdelay $0x3  }
0x33: {  	p0 =	seq.s32 s10, $0x1;
	s10 =	sld [smem:$0x3FBA];
	_ =	sdelay $0x3  }
0x34: {  	[smem:$0x3FBA] =	sst s10  }
0x35: {  	s10 =	sld [smem:$0x3FB9];
	_ =	sdelay $0x3  }
0x36: {  	p1 =	seq.s32 s10, $0x1;
	s10 =	sld [smem:$0x3FBA];
	_ =	sdelay $0x3  }
0x37: {  	[smem:$0x3FBA] =	sst s10  }
0x38: {  	s10 =	sld [smem:$0x3FBB]  }
0x39: {  	_ = 	snop;
	(pc) =	sbr.ind lr, $3  }
0x3a: {  	_ = 	snop  }
0x3b: {  	_ = 	snop  }
0x3c: {  	p2 =	seq.s32 s10, $0x1;
	s10 =	sld [smem:$0x3FBA]  }
0x3d: {  	_ =	shalt  }
0x3e: {  	_ =	shalt  }
0x3f: {  	_ =	shalt  }
0x40: {  	_ =	shalt  }
0x41: {  	_ =	shalt  }
0x42: {  	_ =	shalt  }
0x43: {  	_ =	shalt  }
0x44: {  	_ =	shalt  }
0x45: {  	_ =	shalt  }
0x46: {  	_ =	shalt  }
0x47: {  	_ =	shalt  }
0x48: {  	_ =	shalt  }
0x49: {  	_ =	shalt  }
0x4a: {  	_ =	shalt  }
0x4b: {  	_ =	shalt  }
0x4c: {  	_ =	shalt  }
0x4d: {  	_ =	shalt  }
0x4e: {  	_ =	shalt  }
0x4f: {  	_ =	shalt  }
0x50: {  	_ =	shalt  }
0x51: {  	_ =	shalt  }
0x52: {  	_ =	shalt  }
0x53: {  	_ =	shalt  }
0x54: {  	_ =	shalt  }
0x55: {  	_ =	shalt  }
0x56: {  	_ =	shalt  }
0x57: {  	_ =	shalt  }
0x58: {  	_ =	shalt  }
0x59: {  	_ =	shalt  }
0x5a: {  	_ =	shalt  }
0x5b: {  	_ =	shalt  }
0x5c: {  	_ =	shalt  }
0x5d: {  	_ =	shalt  }
0x5e: {  	_ =	shalt  }
0x5f: {  	_ =	shalt  }
0x60: {  	_ =	shalt  }
0x61: {  	_ =	shalt  }
0x62: {  	_ =	shalt  }
0x63: {  	_ =	shalt  }
0x64: {  	_ =	shalt  }
0x65: {  	_ =	shalt  }
0x66: {  	_ =	shalt  }
0x67: {  	_ =	shalt  }
0x68: {  	_ =	shalt  }
0x69: {  	_ =	shalt  }
0x6a: {  	_ =	shalt  }
0x6b: {  	_ =	shalt  }
0x6c: {  	_ =	shalt  }
0x6d: {  	_ =	shalt  }
0x6e: {  	_ =	shalt  }
0x6f: {  	_ =	shalt  }
0x70: {  	_ =	shalt  }
0x71: {  	_ =	shalt  }
0x72: {  	_ =	shalt  }
0x73: {  	_ =	shalt  }
0x74: {  	_ =	shalt  }
0x75: {  	_ =	shalt  }
0x76: {  	_ =	shalt  }
0x77: {  	_ =	shalt  }
0x78: {  	_ =	shalt  }
0x79: {  	_ =	shalt  }
0x7a: {  	_ =	shalt  }
0x7b: {  	_ =	shalt  }
0x7c: {  	_ =	shalt  }
0x7d: {  	_ =	shalt  }
0x7e: {  	_ =	shalt  }
0x7f: {  	_ =	shalt  }
0x80: {  	_ =	shalt  }
0x81: {  	_ =	shalt  }
0x82: {  	_ =	shalt  }
0x83: {  	_ =	shalt  }
0x84: {  	_ =	shalt  }
0x85: {  	_ =	shalt  }
0x86: {  	_ =	shalt  }
0x87: {  	_ =	shalt  }
.Lfunc_end0:
.L_simem_size_0:
called_computation_lowered:
.L_overlay_start_0:
0x88: {  	s2 =	sld [smem:$0x3FD9]  }
0x89: {  	s3 =	sld [smem:$0x3FFE];
	_ =	sdelay $0x1  }
0x8a: {  	s1 =	srdreg.scid  }
0x8b: {  	s0 =	sand.u32 $0x1, s1  }
0x8c: {  	s17 =	sshll.u32 s0, $0xA;
	s2 =	sadd.s32 s3, s2  }
0x8d: {  	s2 =	sadd.s32 s2, s17  }
0x8e: {  	[smem:$0x3FC6] =	sst s2  }
0x8f: {  	_ = 	snop  }
0x90: {  	s2 =	sld [smem:$0x3FD0];
	(tm) =	ssettm $0x1  }
0x91: {  	s18 =	sld [smem:$0x3FFB];
	_ =	sdelay $0x3  }
0x92: {  	_ =	strace s18  }
0x93: {  	s3 =	sld [smem:$0x3FFC];
	_ =	sdelay $0x3  }
0x94: {  	_ =	strace s3  }
0x95: {  	s3 =	sld [smem:$0x3FFD];
	_ =	sdelay $0x3  }
0x96: {  	_ =	strace s3  }
0x97: {  	_ =	strace $0x8FFFFFFF  }
0x98: {  	s19 =	sld [smem:$0x3FDB];
	_ =	sdelay $0x1  }
0x99: {  	s4 =	simm.s32 $_scs_section_size  }
0x9a: {  	s5 =	simm.s32 $_size__tile_overlayer_lowered;
	s6 =	simm.s32 $_tile_overlayer_lowered  }
0x9b: {  	s22 =	simm.s32 $0x1BFF;
	s21 =	sshll.u32 s6, $0x1;
	s3 =	sadd.s32 s4, s19  }
0x9c: {  	s7 =	simm.s32 $0x0;
	s20 =	sshll.u32 s5, $0x1;
	s5 =	sadd.s32 s21, s3  }
0x9d: {  	[timem:s7], [sflag:s22] =	dma.local [hbm:s5], s20  }
0x9e: {  	_ =	swait.ge [sflag:s22], s20  }
0x9f: {  	s4 =	ssub.s32 $0x0, s20;
	[sflag:s22] =	ssyncset.done $0x0  }
0xa0: {  	[sflag:s22] =	ssyncadd.s32 s4;
	_ =	sdelay $0x1  }
0xa1: {  	s23 =	simm.s32 $0x1B8B  }
0xa2: {  	_ =	swait.ge [sflag:s23], $0x1  }
0xa3: {  	[sflag:s23] =	ssyncset.done $0x0  }
0xa4: {  	s25 =	simm.s32 $0x1B8E;
	s24 =	sld [smem:$0x3FFE];
	[sflag:s23] =	ssyncadd.s32 $0xFFFFFFFF  }
0xa5: {  	s26 =	simm.s32 $execute0_lowered;
	[smem:$0x3FD2] =	sst s25  }
0xa6: {  	s5 =	sshll.u32 s26, $0x1;
	_ =	strace $0x80000046;
	[dreg:$0x1] =	wrdreg $0xFFFFFFFF  }
0xa7: {  	s28 =	simm.s32 $_size_execute0_lowered;
	s3 =	sadd.s32 s3, s5;
	[dreg:$0x0] =	wrdreg $0x0  }
0xa8: {  	s5 =	sshll.u32 s28, $0x1;
	[dreg:$0x2] =	wrdreg s3  }
0xa9: {  	[dreg:$0x3] =	wrdreg s5  }
0xaa: {  	[dreg:$0x4] =	wrdreg $0xC0  }
0xab: {  	_ =	task [dreg:s7], $0x5FFFF  }
0xac: {  	[dreg:$0x1] =	wrdreg $0xFFFFFFFF  }
0xad: {  	[dreg:$0x0] =	wrdreg $0x60  }
0xae: {  	[dreg:$0x2] =	wrdreg s2  }
0xaf: {  	[dreg:$0x3] =	wrdreg s24  }
0xb0: {  	[dreg:$0x4] =	wrdreg $0x9  }
0xb1: {  	_ =	task.clear_ibuf [dreg:s7], $0x5FFFF;
	_ =	strace $0x90000046  }
0xb2: {  	s29 =	simm.s32 $0x9;
	_ =	strace $0x80000048  }
0xb3: {  	_ =	swait.ge [sflag:s29], $0x1  }
0xb4: {  	[sflag:s29] =	ssyncadd.s32 $0xFFFFFFFF  }
0xb5: {  	_ =	strace $0x90000048  }
0xb6: {  	_ =	sfence  }
0xb7: {  	s30 =	sld [smem:$0x0];
	_ =	sdelay $0x2  }
0xb8: {  	s31 =	sshll.u32 s1, $0xD;
	s1 =	sshrl.u32 s1, $0x2  }
0xb9: {  	s3 =	sand.u32 $0x4000, s31;
	s1 =	sadd.s32 s1, s30  }
0xba: {  	s0 =	sor.u32 s3, s0;
	s1 =	sshll.u32 s1, $0x11  }
0xbb: {  	s0 =	sor.u32 s1, s0  }
0xbc: {  	s0 =	sadd.s32 $0x8F2B, s0  }
0xbd: {  	[sflag:s0] =	ssyncadd.remote.s32 $0x1  }
0xbe: {  	_ =	sfence.sel $0xFFFF  }
0xbf: {  	[dreg:$0x0] =	wrdreg $0xFFFFFFFF;
	(pc) =	sbr.abs _section_cstart, $3  }
0xc0: {  	[dreg:$0x1] =	wrdreg $0xFFFFFFFF  }
0xc1: {  	_ =	task.clear_ibuf [dreg:s7], $0x2FFFF;
	_ =	strace $0x9FFFFFFF  }
0xc2: {  	(tm) =	ssettm $0x7FFFFFFF  }
0xc3: {  	_ =	shalt  }
tec
execute0_lowered:
.L_overlay_start_1:
0x0: {  	(tag) =	ssettag $0x1  }
0x1: {  	s0 =	rddreg [dreg:$0x0]  }
0x2: {  	s1 =	rddreg [dreg:$0x1]  }
0x3: {  	s2 =	simm.s32 $0x0;
	s3 =	srdreg.scid;
	s4 =	stileid.u32  }
0x4: {  	s9 =	simm.s32 $0x200;
	s11 =	simm.s32 $0x5;
	s12 =	simm.s32 $0x80  }
0x5: {  	v0 =	vlaneseq.u32;
	s24 =	simm.s32 $0x380;
	s25 =	simm.s32 $0xD400;
	s28 =	simm.s32 $0xE400  }
0x6: {  	v1 =	vimm.s32 $0x0;
	vm0 =	vcmask $0x300;
	s29 =	simm.s32 $0x2;
	s30 =	simm.s32 $0x12500;
	s31 =	simm.s32 $0x3;
	v0 =	vmul.u32 $0x208, v0  }
0x7: {  	[smem:$0x7FF] =	sst s2;
	s3 =	sand.u32 $0x1, s3;
	s4 =	sshll.u32 s4, $0xA;
	v1 =	vsel vm0, $0x3, v1  }
0x8: {  	_ =	strace $0x80000047;
	s6 =	ssub.s32 $0x2, s3;
	s5 =	sshll.u32 s3, $0x9;
	v2 =	vadd.s32 $0x2080, v0;
	v3 =	vor.u32 $0x1, v0;
	v4 =	vadd.s32 $0x2081, v0  }
0x9: {  	s3 =	sadd.s32 $0xF42A00, s1;
	s7 =	sshrl.u32 s6, $0x1;
	s4 =	sor.u32 s5, s4;
	v5 =	vor.u32 $0x2, v0;
	v6 =	vadd.s32 $0x2082, v0;
	v7 =	vor.u32 $0x3, v0  }
0xa: {  	s5 =	sadd.s32 $0x600, s1;
	v8 =	vadd.s32 $0x2083, v0;
	v9 =	vor.u32 $0x4, v0;
	v10 =	vadd.s32 $0x2084, v0;
	s8 =	ssub.s32 s6, s7;
	s26 =	sshrl.u32 s4, $0x3  }
0xb: {  	v11 =	vor.u32 $0x5, v0;
	v12 =	vadd.s32 $0x2085, v0;
	v13 =	vor.u32 $0x6, v0;
	s7 =	sadd.s32 $0x10600, s1;
	s1 =	simm.s32 $0x0;
	s6 =	sadd.s32 s0, s26  }
0xc: {  	v14 =	vadd.s32 $0x2086, v0;
	v15 =	vor.u32 $0x7, v0;
	v16 =	vadd.s32 $0x2087, v0;
	s8 =	smax.u32 s8, $0x1;
	s26 =	simm.s32 $0x1;
	s0 =	simm.s32 $0x4  }
.LBB2_1:
0xd: {  	s10 =	simm.s32 $0x4000  }
0xe: {  	[tilespmem:s2], [sflag:$0x5] =	stream.strided.gather [hbm4b:s6+s9], $0x6400, s10, s9, $0x38;
	[tilespmem:$0x16600] =	vst v63  }
0xf: {  	_ =	swait.ge [sflag:s11], $0x6400  }
0x10: {  	[sflag:s11] =	ssyncset.done $0x0  }
0x11: {  	s14 =	simm.s32 $0x6400;
	[sflag:s11] =	ssyncadd.s32 $0xFFFF9C00  }
0x12: {  	[tilespmem:s14], [sflag:$0x1] =	stream.indirect.gather [hbm4b:s3+s12], $0x20, s2, s12, $0xb8;
	[tilespmem:$0x16600] =	vst v63  }
0x13: {  	s15 =	simm.s32 $0x7400  }
0x14: {  	[tilespmem:s15], [sflag:$0x1] =	stream.indirect.gather [hbm4b:s3+s12], $0x20, s12, s12, $0xb8;
	[tilespmem:$0x16600] =	vst v63  }
0x15: {  	s16 =	simm.s32 $0x100;
	s13 =	simm.s32 $0x8400  }
0x16: {  	[tilespmem:s13], [sflag:$0x1] =	stream.indirect.gather [hbm4b:s3+s12], $0x20, s16, s12, $0xb8;
	[tilespmem:$0x16600] =	vst v63  }
0x17: {  	s17 =	simm.s32 $0x180;
	s18 =	simm.s32 $0x9400  }
0x18: {  	[tilespmem:s18], [sflag:$0x1] =	stream.indirect.gather [hbm4b:s3+s12], $0x20, s17, s12, $0xb8;
	[tilespmem:$0x16600] =	vst v63  }
0x19: {  	s19 =	simm.s32 $0xA400  }
0x1a: {  	[tilespmem:s19], [sflag:$0x2] =	stream.indirect.gather [hbm4b:s3+s12], $0x20, s9, s12, $0xb8;
	[tilespmem:$0x16600] =	vst v63  }
0x1b: {  	s20 =	simm.s32 $0x280;
	s21 =	simm.s32 $0xB400  }
0x1c: {  	[tilespmem:s21], [sflag:$0x2] =	stream.indirect.gather [hbm4b:s3+s12], $0x20, s20, s12, $0xb8;
	[tilespmem:$0x16600] =	vst v63  }
0x1d: {  	s22 =	simm.s32 $0x300;
	s23 =	simm.s32 $0xC400  }
0x1e: {  	[tilespmem:s23], [sflag:$0x2] =	stream.indirect.gather [hbm4b:s3+s12], $0x20, s22, s12, $0xb8;
	[tilespmem:$0x16600] =	vst v63  }
0x1f: {  	s13 =	simm.s32 $0x0  }
0x20: {  	[tilespmem:s25], [sflag:$0x2] =	stream.indirect.gather [hbm4b:s3+s12], $0x20, s24, s12, $0xb8;
	[tilespmem:$0x16600] =	vst v63  }
.LBB2_2:
0x21: {  	_ =	swait.ge [sflag:s26], $0x1000  }
0x22: {  	[sflag:s26] =	ssyncset.done $0x0  }
0x23: {  	[sflag:s26] =	ssyncadd.s32 $0xFFFFF000  }
0x24: {  	_ =	swait.ge [sflag:s26], $0x1000  }
0x25: {  	[sflag:s26] =	ssyncset.done $0x0  }
0x26: {  	[sflag:s26] =	ssyncadd.s32 $0xFFFFF000  }
0x27: {  	_ =	swait.ge [sflag:s26], $0x1000  }
0x28: {  	[sflag:s26] =	ssyncset.done $0x0  }
0x29: {  	[sflag:s26] =	ssyncadd.s32 $0xFFFFF000  }
0x2a: {  	s10 =	simm.s32 $0x8;
	_ =	swait.ge [sflag:s26], $0x1000  }
0x2b: {  	p1 =	seq.s32 s13, $0x0;
	v17 =	vmov s10;
	[sflag:s26] =	ssyncset.done $0x0  }
0x2c: {  	s10 =	simm.s32 @!p1 $0x3;
	v17 =	vshrl.u32 v17, $0x3;
	[sflag:s26] =	ssyncadd.s32 $0xFFFFF000  }
0x2d: {  	v17 =	vshll.u32 v17, v1;
	_ =	swait.ge @!p1 [sflag:s10], $0x4000  }
0x2e: {  	v17 =	vbroadcast v17, $0x0;
	[sflag:s10] =	ssyncset.done @!p1 $0x0  }
0x2f: {  	[sflag:s10] =	ssyncadd.s32 @!p1 $0xFFFFC000;
	s10 =	simm.s32 $0x6500  }
0x30: {  	v19 =	vadd.s32 v0, v17;
	v18 =	vld [tilespmem:s10+$0x0]  }
0x31: {  	s14 =	simm.s32 $0x9;
	v17 =	vadd.s32 v2, v17;
	v20 =	vld [tilespmem:s10+$0x10]  }
0x32: {  	v21 =	vmov s14  }
0x33: {  	v21 =	vshrl.u32 v21, $0x3  }
0x34: {  	v21 =	vshll.u32 v21, v1  }
0x35: {  	s16 =	simm.s32 $0x0;
	[tilespmem:v19+s28+$0x0] =	vst.idx.msk $0xffff, v18;
	v18 =	vbroadcast v21, $0x0  }
0x36: {  	v19 =	vmov s16;
	[tilespmem:v17+s28+$0x0] =	vst.idx.msk $0xffff, v20  }
0x37: {  	v17 =	vshrl.u32 v19, $0x3;
	v19 =	vld [tilespmem:s10+$0x20];
	v20 =	vadd.s32 v3, v18  }
0x38: {  	s17 =	simm.s32 $0xA;
	v17 =	vshll.u32 v17, v1;
	v21 =	vld [tilespmem:s10+$0x30];
	v18 =	vadd.s32 v4, v18  }
0x39: {  	v22 =	vmov s17;
	v17 =	vbroadcast v17, $0x0  }
0x3a: {  	v22 =	vshrl.u32 v22, $0x3  }
0x3b: {  	v22 =	vshll.u32 v22, v1;
	v23 =	vld [tilespmem:s10+$0xFFFFFF00];
	v24 =	vadd.s32 v0, v17  }
0x3c: {  	s18 =	simm.s32 $0x1;
	v25 =	vld [tilespmem:s10+$0xFFFFFF10];
	v17 =	vadd.s32 v2, v17;
	[tilespmem:v20+s28+$0x0] =	vst.idx.msk $0xffff, v19;
	v19 =	vbroadcast v22, $0x0  }
0x3d: {  	v20 =	vmov s18;
	[tilespmem:v18+s28+$0x0] =	vst.idx.msk $0xffff, v21  }
0x3e: {  	v18 =	vshrl.u32 v20, $0x3;
	v20 =	vld [tilespmem:s10+$0x40];
	v21 =	vadd.s32 v5, v19  }
0x3f: {  	s19 =	simm.s32 $0xB;
	v18 =	vshll.u32 v18, v1;
	v22 =	vld [tilespmem:s10+$0x50];
	v19 =	vadd.s32 v6, v19  }
0x40: {  	[tilespmem:v24+s28+$0x0] =	vst.idx.msk $0xffff, v23;
	v18 =	vbroadcast v18, $0x0;
	v23 =	vmov s19  }
0x41: {  	[tilespmem:v17+s28+$0x0] =	vst.idx.msk $0xffff, v25;
	v17 =	vshrl.u32 v23, $0x3  }
0x42: {  	s20 =	simm.s32 $0x2;
	v23 =	vld [tilespmem:s10+$0xFFFFFF20];
	v24 =	vadd.s32 v3, v18;
	v17 =	vshll.u32 v17, v1  }
0x43: {  	v26 =	vmov s20;
	v25 =	vld [tilespmem:s10+$0xFFFFFF30];
	v18 =	vadd.s32 v4, v18;
	v17 =	vbroadcast v17, $0x0;
	[tilespmem:v21+s28+$0x0] =	vst.idx.msk $0xffff, v20  }
0x44: {  	v20 =	vshrl.u32 v26, $0x3;
	[tilespmem:v19+s28+$0x0] =	vst.idx.msk $0xffff, v22  }
0x45: {  	v19 =	vshll.u32 v20, v1;
	v21 =	vadd.s32 v7, v17;
	v20 =	vld [tilespmem:s10+$0x60]  }
0x46: {  	s15 =	simm.s32 $0xC;
	v17 =	vadd.s32 v8, v17;
	v19 =	vbroadcast v19, $0x0;
	v22 =	vld [tilespmem:s10+$0x70]  }
0x47: {  	s21 =	simm.s32 $0x3;
	[tilespmem:v24+s28+$0x0] =	vst.idx.msk $0xffff, v23;
	v23 =	vmov s15  }
0x48: {  	s22 =	simm.s32 $0x18;
	v26 =	vmov s21;
	[tilespmem:v18+s28+$0x0] =	vst.idx.msk $0xffff, v25;
	v18 =	vadd.s32 v5, v19;
	v23 =	vshrl.u32 v23, $0x3  }
0x49: {  	v25 =	vshrl.u32 v26, $0x3;
	v26 =	vmov s22;
	v24 =	vld [tilespmem:s10+$0xFFFFFF40];
	v23 =	vshll.u32 v23, v1  }
0x4a: {  	v19 =	vadd.s32 v6, v19;
	v27 =	vld [tilespmem:s10+$0xFFFFFF50];
	[tilespmem:v21+s28+$0x0] =	vst.idx.msk $0xffff, v20;
	v20 =	vbroadcast v23, $0x0;
	v21 =	vshrl.u32 v26, $0x3  }
0x4b: {  	v25 =	vshll.u32 v25, v1;
	[tilespmem:v17+s28+$0x0] =	vst.idx.msk $0xffff, v22;
	v17 =	vshll.u32 v21, v1  }
0x4c: {  	s23 =	simm.s32 $0x19;
	s15 =	simm.s32 $0x10;
	v23 =	vbroadcast v25, $0x0;
	v22 =	vld [tilespmem:s10+$0x80];
	v25 =	vadd.s32 v9, v20;
	v17 =	vbroadcast v17, $0x0  }
0x4d: {  	s14 =	simm.s32 $0x6700;
	v30 =	vmov s23;
	s16 =	simm.s32 $0xD;
	v21 =	vmov s15;
	v28 =	vld [tilespmem:s10+$0x90];
	v20 =	vadd.s32 v10, v20  }
0x4e: {  	[tilespmem:v18+s28+$0x0] =	vst.idx.msk $0xffff, v24;
	v18 =	vshrl.u32 v21, $0x3;
	v21 =	vmov s16;
	v24 =	vld [tilespmem:s14+$0x0];
	v29 =	vadd.s32 v0, v17  }
0x4f: {  	[tilespmem:v19+s28+$0x0] =	vst.idx.msk $0xffff, v27;
	v18 =	vshll.u32 v18, v1;
	v19 =	vshrl.u32 v21, $0x3;
	v21 =	vld [tilespmem:s14+$0x10];
	v17 =	vadd.s32 v2, v17  }
0x50: {  	v26 =	vadd.s32 v7, v23;
	v27 =	vld [tilespmem:s10+$0xFFFFFF60];
	v18 =	vbroadcast v18, $0x0;
	v19 =	vshll.u32 v19, v1  }
0x51: {  	v23 =	vadd.s32 v8, v23;
	v31 =	vld [tilespmem:s10+$0xFFFFFF70];
	v19 =	vbroadcast v19, $0x0;
	[tilespmem:v25+s28+$0x0] =	vst.idx.msk $0xffff, v22;
	v22 =	vshrl.u32 v30, $0x3  }
0x52: {  	s17 =	simm.s32 $0x4;
	v25 =	vld [tilespmem:s14+$0xFFFFFF00];
	v30 =	vadd.s32 v0, v18;
	[tilespmem:v20+s28+$0x0] =	vst.idx.msk $0xffff, v28;
	v20 =	vshll.u32 v22, v1  }
0x53: {  	v32 =	vmov s17;
	v48 =	vadd.s32 v11, v19;
	v28 =	vld [tilespmem:s10+$0xA0];
	[tilespmem:v29+s28+$0x0] =	vst.idx.msk $0xffff, v24;
	v20 =	vbroadcast v20, $0x0  }
0x54: {  	v32 =	vshrl.u32 v32, $0x3;
	v18 =	vadd.s32 v2, v18;
	v24 =	vld [tilespmem:s14+$0xFFFFFF10];
	[tilespmem:v17+s28+$0x0] =	vst.idx.msk $0xffff, v21  }
0x55: {  	s19 =	simm.s32 $0x11;
	v22 =	vshll.u32 v32, v1;
	[tilespmem:v26+s28+$0x0] =	vst.idx.msk $0xffff, v27;
	v26 =	vld [tilespmem:s14+$0x20];
	v27 =	vadd.s32 v3, v20  }
0x56: {  	v19 =	vadd.s32 v12, v19;
	v22 =	vbroadcast v22, $0x0;
	v21 =	vmov s19;
	[tilespmem:v23+s28+$0x0] =	vst.idx.msk $0xffff, v31;
	v31 =	vld [tilespmem:s10+$0xB0]  }
0x57: {  	s18 =	simm.s32 $0xE;
	v21 =	vshrl.u32 v21, $0x3;
	v29 =	vld [tilespmem:s14+$0x30];
	v20 =	vadd.s32 v4, v20;
	[tilespmem:v30+s28+$0x0] =	vst.idx.msk $0xffff, v25  }
0x58: {  	s20 =	simm.s32 $0x1A;
	v17 =	vmov s18;
	v23 =	vadd.s32 v9, v22;
	v21 =	vshll.u32 v21, v1;
	v30 =	vld [tilespmem:s10+$0xFFFFFF80];
	[tilespmem:v48+s28+$0x0] =	vst.idx.msk $0xffff, v28  }
0x59: {  	v17 =	vshrl.u32 v17, $0x3;
	v25 =	vmov s20;
	v21 =	vbroadcast v21, $0x0;
	[tilespmem:v18+s28+$0x0] =	vst.idx.msk $0xffff, v24  }
0x5a: {  	v22 =	vadd.s32 v10, v22;
	v17 =	vshll.u32 v17, v1;
	v25 =	vshrl.u32 v25, $0x3;
	v28 =	vld [tilespmem:s10+$0xFFFFFF90];
	[tilespmem:v27+s28+$0x0] =	vst.idx.msk $0xffff, v26  }
0x5b: {  	v17 =	vbroadcast v17, $0x0;
	v18 =	vshll.u32 v25, v1;
	v24 =	vld [tilespmem:s14+$0xFFFFFF20];
	v25 =	vadd.s32 v3, v21;
	[tilespmem:v19+s28+$0x0] =	vst.idx.msk $0xffff, v31  }
0x5c: {  	v18 =	vbroadcast v18, $0x0;
	v21 =	vadd.s32 v4, v21;
	v26 =	vld [tilespmem:s14+$0xFFFFFF30];
	[tilespmem:v20+s28+$0x0] =	vst.idx.msk $0xffff, v29  }
0x5d: {  	s21 =	simm.s32 $0x12;
	v19 =	vadd.s32 v13, v17;
	[tilespmem:v23+s28+$0x0] =	vst.idx.msk $0xffff, v30;
	v30 =	vld [tilespmem:s10+$0xC0]  }
0x5e: {  	v20 =	vmov s21;
	v29 =	vadd.s32 v5, v18;
	v27 =	vld [tilespmem:s14+$0x40]  }
0x5f: {  	s23 =	simm.s32 $0x1B;
	s22 =	simm.s32 $0xF;
	v17 =	vadd.s32 v14, v17;
	v18 =	vadd.s32 v6, v18;
	v20 =	vshrl.u32 v20, $0x3;
	v23 =	vld [tilespmem:s14+$0x50];
	[tilespmem:v22+s28+$0x0] =	vst.idx.msk $0xffff, v28  }
0x60: {  	v31 =	vmov s22;
	v20 =	vshll.u32 v20, v1;
	v22 =	vmov s23;
	[tilespmem:v25+s28+$0x0] =	vst.idx.msk $0xffff, v24  }
0x61: {  	s17 =	simm.s32 $0x5;
	v31 =	vshrl.u32 v31, $0x3;
	v28 =	vld [tilespmem:s10+$0xD0];
	v20 =	vbroadcast v20, $0x0;
	v22 =	vshrl.u32 v22, $0x3;
	[tilespmem:v21+s28+$0x0] =	vst.idx.msk $0xffff, v26  }
0x62: {  	v24 =	vmov s17;
	v25 =	vshll.u32 v31, v1;
	v31 =	vld [tilespmem:s10+$0xFFFFFFA0];
	v21 =	vshll.u32 v22, v1;
	[tilespmem:v19+s28+$0x0] =	vst.idx.msk $0xffff, v30  }
0x63: {  	s19 =	simm.s32 $0x1C;
	v24 =	vshrl.u32 v24, $0x3;
	v22 =	vld [tilespmem:s14+$0xFFFFFF40];
	v26 =	vadd.s32 v5, v20;
	v21 =	vbroadcast v21, $0x0;
	[tilespmem:v29+s28+$0x0] =	vst.idx.msk $0xffff, v27  }
0x64: {  	s18 =	simm.s32 $0x13;
	v25 =	vbroadcast v25, $0x0;
	v20 =	vadd.s32 v6, v20;
	v30 =	vmov s19;
	v27 =	vld [tilespmem:s14+$0xFFFFFF50];
	[tilespmem:v18+s28+$0x0] =	vst.idx.msk $0xffff, v23  }
0x65: {  	v18 =	vshll.u32 v24, v1;
	v23 =	vmov s18;
	v24 =	vadd.s32 v7, v21;
	v19 =	vld [tilespmem:s14+$0x60]  }
0x66: {  	[tilespmem:v17+s28+$0x0] =	vst.idx.msk $0xffff, v28;
	v21 =	vadd.s32 v8, v21;
	v18 =	vbroadcast v18, $0x0;
	v23 =	vshrl.u32 v23, $0x3;
	v28 =	vld [tilespmem:s14+$0x70]  }
0x67: {  	v17 =	vadd.s32 v15, v25;
	v25 =	vadd.s32 v16, v25;
	v29 =	vld [tilespmem:s10+$0xE0];
	v23 =	vshll.u32 v23, v1  }
0x68: {  	s16 =	simm.s32 $0x20;
	v33 =	vld [tilespmem:s10+$0xFFFFFFB0];
	s17 =	simm.s32 $0x6900;
	v49 =	vadd.s32 v11, v18;
	[tilespmem:v26+s28+$0x0] =	vst.idx.msk $0xffff, v22;
	v22 =	vbroadcast v23, $0x0;
	v23 =	vshrl.u32 v30, $0x3  }
0x69: {  	s20 =	simm.s32 $0x6;
	v50 =	vld [tilespmem:s17+$0x10];
	v18 =	vadd.s32 v12, v18;
	v30 =	vmov s16;
	[tilespmem:v20+s28+$0x0] =	vst.idx.msk $0xffff, v27;
	v20 =	vshll.u32 v23, v1  }
0x6a: {  	s21 =	simm.s32 $0x28;
	v26 =	vld [tilespmem:s10+$0xF0];
	v23 =	vmov s20;
	v34 =	vadd.s32 v7, v22;
	[tilespmem:v24+s28+$0x0] =	vst.idx.msk $0xffff, v19;
	v19 =	vbroadcast v20, $0x0  }
0x6b: {  	v27 =	vld [tilespmem:s14+$0xFFFFFF60];
	v22 =	vadd.s32 v8, v22;
	v20 =	vshrl.u32 v23, $0x3;
	v23 =	vmov s21;
	[tilespmem:v21+s28+$0x0] =	vst.idx.msk $0xffff, v28  }
0x6c: {  	[tilespmem:v17+s28+$0x0] =	vst.idx.msk $0xffff, v29;
	v20 =	vshll.u32 v20, v1;
	v21 =	vshrl.u32 v23, $0x3;
	v23 =	vld [tilespmem:s14+$0x80];
	v28 =	vadd.s32 v9, v19  }
0x6d: {  	s22 =	simm.s32 $0x1D;
	[tilespmem:v49+s28+$0x0] =	vst.idx.msk $0xffff, v31;
	v20 =	vbroadcast v20, $0x0;
	v21 =	vshll.u32 v21, v1;
	v31 =	vld [tilespmem:s14+$0x90];
	v19 =	vadd.s32 v10, v19  }
0x6e: {  	v24 =	vld [tilespmem:s14+$0xFFFFFF70];
	v17 =	vshrl.u32 v30, $0x3;
	[tilespmem:v18+s28+$0x0] =	vst.idx.msk $0xffff, v33;
	v18 =	vbroadcast v21, $0x0;
	v21 =	vmov s22  }
0x6f: {  	v17 =	vshll.u32 v17, v1;
	[tilespmem:v25+s28+$0x0] =	vst.idx.msk $0xffff, v26;
	v29 =	vld [tilespmem:s10+$0xFFFFFFC0];
	v25 =	vadd.s32 v13, v20;
	v21 =	vshrl.u32 v21, $0x3  }
0x70: {  	s18 =	simm.s32 $0x14;
	v17 =	vbroadcast v17, $0x0;
	[tilespmem:v34+s28+$0x0] =	vst.idx.msk $0xffff, v27;
	v27 =	vld [tilespmem:s17+$0x0];
	v30 =	vadd.s32 v0, v18;
	v21 =	vshll.u32 v21, v1  }
0x71: {  	s19 =	simm.s32 $0x29;
	v51 =	vmov s18;
	v26 =	vld [tilespmem:s10+$0xFFFFFFD0];
	v18 =	vadd.s32 v2, v18;
	v21 =	vbroadcast v21, $0x0;
	[tilespmem:v28+s28+$0x0] =	vst.idx.msk $0xffff, v23  }
0x72: {  	v52 =	vmov s19;
	v33 =	vshrl.u32 v51, $0x3;
	v23 =	vld [tilespmem:s17+$0xFFFFFF00];
	v28 =	vadd.s32 v0, v17;
	[tilespmem:v19+s28+$0x0] =	vst.idx.msk $0xffff, v31  }
0x73: {  	[tilespmem:v22+s28+$0x0] =	vst.idx.msk $0xffff, v24;
	v22 =	vshll.u32 v33, v1;
	v19 =	vshrl.u32 v52, $0x3;
	v31 =	vadd.s32 v11, v21;
	v24 =	vld [tilespmem:s14+$0xA0]  }
0x74: {  	s23 =	simm.s32 $0x1E;
	v22 =	vbroadcast v22, $0x0;
	v21 =	vadd.s32 v12, v21;
	[tilespmem:v25+s28+$0x0] =	vst.idx.msk $0xffff, v29;
	v19 =	vshll.u32 v19, v1;
	v25 =	vld [tilespmem:s14+$0xB0]  }
0x75: {  	v17 =	vadd.s32 v2, v17;
	v29 =	vld [tilespmem:s17+$0xFFFFFF10];
	[tilespmem:v30+s28+$0x0] =	vst.idx.msk $0xffff, v27;
	v19 =	vbroadcast v19, $0x0;
	v27 =	vmov s23  }
0x76: {  	s19 =	simm.s32 $0x21;
	v20 =	vadd.s32 v14, v20;
	v30 =	vadd.s32 v9, v22;
	[tilespmem:v18+s28+$0x0] =	vst.idx.msk $0xffff, v50;
	v18 =	vld [tilespmem:s14+$0xFFFFFF80];
	v27 =	vshrl.u32 v27, $0x3  }
0x77: {  	[tilespmem:v28+s28+$0x0] =	vst.idx.msk $0xffff, v23;
	v23 =	vmov s19;
	v28 =	vld [tilespmem:s17+$0x20];
	v53 =	vadd.s32 v3, v19;
	v27 =	vshll.u32 v27, v1  }
0x78: {  	s20 =	simm.s32 $0x2A;
	v54 =	vld [tilespmem:s17+$0x30];
	v19 =	vadd.s32 v4, v19;
	v23 =	vshrl.u32 v23, $0x3;
	[tilespmem:v31+s28+$0x0] =	vst.idx.msk $0xffff, v24;
	v24 =	vbroadcast v27, $0x0  }
0x79: {  	v22 =	vadd.s32 v10, v22;
	v23 =	vshll.u32 v23, v1;
	v27 =	vmov s20;
	v31 =	vld [tilespmem:s14+$0xFFFFFF90];
	[tilespmem:v21+s28+$0x0] =	vst.idx.msk $0xffff, v25  }
0x7a: {  	s23 =	simm.s32 $0x15;
	[tilespmem:v17+s28+$0x0] =	vst.idx.msk $0xffff, v29;
	v17 =	vbroadcast v23, $0x0;
	v21 =	vshrl.u32 v27, $0x3;
	v23 =	vld [tilespmem:s14+$0xC0];
	v25 =	vadd.s32 v13, v24  }
0x7b: {  	s22 =	simm.s32 $0x1F;
	v55 =	vmov s23;
	v21 =	vshll.u32 v21, v1;
	[tilespmem:v30+s28+$0x0] =	vst.idx.msk $0xffff, v18;
	v18 =	vld [tilespmem:s14+$0xD0];
	v24 =	vadd.s32 v14, v24  }
0x7c: {  	s21 =	simm.s32 $0x7;
	v29 =	vld [tilespmem:s17+$0xFFFFFF20];
	v30 =	vadd.s32 v3, v17;
	[tilespmem:v53+s28+$0x0] =	vst.idx.msk $0xffff, v28;
	v21 =	vbroadcast v21, $0x0;
	v28 =	vmov s22  }
0x7d: {  	s20 =	simm.s32 $0x22;
	v27 =	vmov s21;
	v56 =	vld [tilespmem:s17+$0xFFFFFF30];
	v17 =	vadd.s32 v4, v17;
	[tilespmem:v19+s28+$0x0] =	vst.idx.msk $0xffff, v54;
	v19 =	vshrl.u32 v28, $0x3  }
0x7e: {  	v28 =	vmov s20;
	v33 =	vld [tilespmem:s17+$0x40];
	[tilespmem:v22+s28+$0x0] =	vst.idx.msk $0xffff, v31;
	v22 =	vadd.s32 v5, v21;
	v19 =	vshll.u32 v19, v1  }
0x7f: {  	s22 =	simm.s32 $0x2B;
	v28 =	vshrl.u32 v28, $0x3;
	v31 =	vld [tilespmem:s17+$0x50];
	v21 =	vadd.s32 v6, v21;
	v19 =	vbroadcast v19, $0x0;
	[tilespmem:v25+s28+$0x0] =	vst.idx.msk $0xffff, v23  }
0x80: {  	v27 =	vshrl.u32 v27, $0x3;
	v25 =	vshll.u32 v28, v1;
	v28 =	vmov s22;
	[tilespmem:v24+s28+$0x0] =	vst.idx.msk $0xffff, v18;
	v24 =	vld [tilespmem:s14+$0xFFFFFFA0]  }
0x81: {  	s21 =	simm.s32 $0x23;
	[tilespmem:v30+s28+$0x0] =	vst.idx.msk $0xffff, v29;
	v18 =	vbroadcast v25, $0x0;
	v25 =	vshrl.u32 v28, $0x3;
	v29 =	vadd.s32 v15, v19;
	v28 =	vld [tilespmem:s14+$0xE0]  }
0x82: {  	v23 =	vmov s21;
	v19 =	vadd.s32 v16, v19;
	[tilespmem:v17+s28+$0x0] =	vst.idx.msk $0xffff, v56;
	v17 =	vshll.u32 v25, v1;
	v25 =	vld [tilespmem:s14+$0xF0]  }
0x83: {  	v30 =	vld [tilespmem:s17+$0xFFFFFF40];
	v57 =	vadd.s32 v5, v18;
	[tilespmem:v22+s28+$0x0] =	vst.idx.msk $0xffff, v33;
	v17 =	vbroadcast v17, $0x0;
	v22 =	vshrl.u32 v55, $0x3  }
0x84: {  	v58 =	vld [tilespmem:s17+$0xFFFFFF50];
	v59 =	vadd.s32 v6, v18;
	v18 =	vshrl.u32 v23, $0x3;
	[tilespmem:v21+s28+$0x0] =	vst.idx.msk $0xffff, v31;
	v21 =	vshll.u32 v22, v1  }
0x85: {  	s18 =	simm.s32 $0x30;
	[tilespmem:v20+s28+$0x0] =	vst.idx.msk $0xffff, v26;
	v23 =	vshll.u32 v27, v1;
	v20 =	vld [tilespmem:s17+$0x60];
	v22 =	vadd.s32 v7, v17;
	v21 =	vbroadcast v21, $0x0  }
0x86: {  	v26 =	vmov s18;
	s23 =	simm.s32 $0x2C;
	v27 =	vshll.u32 v18, v1;
	v31 =	vld [tilespmem:s17+$0x70];
	v35 =	vadd.s32 v8, v17;
	[tilespmem:v29+s28+$0x0] =	vst.idx.msk $0xffff, v28  }
0x87: {  	v18 =	vbroadcast v23, $0x0;
	v23 =	vld [tilespmem:s10+$0xFFFFFFE0];
	v17 =	vmov s23;
	v29 =	vadd.s32 v11, v21;
	[tilespmem:v19+s28+$0x0] =	vst.idx.msk $0xffff, v25  }
0x88: {  	s20 =	simm.s32 $0x16;
	v17 =	vshrl.u32 v17, $0x3;
	v28 =	vld [tilespmem:s14+$0xFFFFFFB0];
	v21 =	vadd.s32 v12, v21;
	[tilespmem:v57+s28+$0x0] =	vst.idx.msk $0xffff, v30;
	v19 =	vbroadcast v27, $0x0  }
0x89: {  	v25 =	vshll.u32 v17, v1;
	v27 =	vmov s20;
	v17 =	vld [tilespmem:s10+$0xFFFFFFF0];
	v30 =	vadd.s32 v15, v18;
	[tilespmem:v59+s28+$0x0] =	vst.idx.msk $0xffff, v58  }
0x8a: {  	s21 =	simm.s32 $0x38;
	v32 =	vld [tilespmem:s17+$0xFFFFFF60];
	v60 =	vadd.s32 v7, v19;
	[tilespmem:v22+s28+$0x0] =	vst.idx.msk $0xffff, v20;
	v20 =	vbroadcast v25, $0x0;
	v22 =	vshrl.u32 v27, $0x3  }
0x8b: {  	v25 =	vmov s21;
	v27 =	vld [tilespmem:s17+$0xFFFFFF70];
	v61 =	vadd.s32 v8, v19;
	[tilespmem:v35+s28+$0x0] =	vst.idx.msk $0xffff, v31;
	v19 =	vshll.u32 v22, v1  }
0x8c: {  	v22 =	vshrl.u32 v25, $0x3;
	v31 =	vld [tilespmem:s17+$0x80];
	v62 =	vadd.s32 v9, v20;
	[tilespmem:v29+s28+$0x0] =	vst.idx.msk $0xffff, v24;
	v24 =	vbroadcast v19, $0x0  }
0x8d: {  	s22 =	simm.s32 $0x2D;
	v19 =	vshrl.u32 v26, $0x3;
	v22 =	vshll.u32 v22, v1;
	v36 =	vld [tilespmem:s17+$0x90];
	v37 =	vadd.s32 v10, v20;
	[tilespmem:v21+s28+$0x0] =	vst.idx.msk $0xffff, v28  }
0x8e: {  	v20 =	vmov s22;
	v28 =	vbroadcast v22, $0x0;
	[tilespmem:v30+s28+$0x0] =	vst.idx.msk $0xffff, v23;
	v21 =	vld [tilespmem:s14+$0xFFFFFFC0];
	v22 =	vadd.s32 v13, v24  }
0x8f: {  	s19 =	simm.s32 $0x6B00;
	v23 =	vshll.u32 v19, v1;
	v30 =	vshrl.u32 v20, $0x3;
	v19 =	vld [tilespmem:s14+$0xFFFFFFD0];
	v20 =	vadd.s32 v14, v24;
	[tilespmem:v60+s28+$0x0] =	vst.idx.msk $0xffff, v32  }
0x90: {  	s23 =	simm.s32 $0x24;
	v26 =	vld [tilespmem:s19+$0x0];
	v25 =	vbroadcast v23, $0x0;
	v23 =	vshll.u32 v30, v1;
	v29 =	vadd.s32 v0, v28;
	[tilespmem:v61+s28+$0x0] =	vst.idx.msk $0xffff, v27  }
0x91: {  	v63 =	vmov s23;
	s20 =	simm.s32 $0x39;
	v30 =	vadd.s32 v2, v28;
	v23 =	vbroadcast v23, $0x0;
	v27 =	vld [tilespmem:s19+$0x10];
	[tilespmem:v62+s28+$0x0] =	vst.idx.msk $0xffff, v31  }
0x92: {  	s10 =	sshll.u32 s13, $0xA;
	v24 =	vld [tilespmem:s19+$0xFFFFFF00];
	v32 =	vmov s20;
	s20 =	simm.s32 $0x40;
	v28 =	vadd.s32 v0, v25;
	v31 =	vshrl.u32 v63, $0x3;
	[tilespmem:v37+s28+$0x0] =	vst.idx.msk $0xffff, v36  }
.LBB2_3:
0x93: {  	p0 =	slt.u32 s20, $0x1F0;
	v32 =	vshrl.u32 v32, $0x3;
	v31 =	vshll.u32 v31, v1;
	v33 =	vld [tilespmem:s17+$0xA0];
	v34 =	vadd.s32 v11, v23;
	[tilespmem:v22+s28+$0x0] =	vst.idx.msk $0xffff, v21  }
0x94: {  	v23 =	vadd.s32 v12, v23;
	s21 =	sadd.s32 $0xE, s16;
	v21 =	vshll.u32 v32, v1;
	v22 =	vbroadcast v31, $0x0;
	v31 =	vld [tilespmem:s17+$0xB0];
	[tilespmem:v20+s28+$0x0] =	vst.idx.msk $0xffff, v19  }
0x95: {  	v20 =	vadd.s32 v2, v25;
	v25 =	vmov s21;
	s21 =	sadd.s32 $0x7, s15;
	s15 =	smov.u32 s16;
	s16 =	smov.u32 s18;
	v19 =	vld [tilespmem:s19+$0xFFFFFF10];
	[tilespmem:v29+s28+$0x0] =	vst.idx.msk $0xffff, v26;
	v21 =	vbroadcast v21, $0x0  }
0x96: {  	s18 =	smov.u32 s20;
	s22 =	sadd.s32 $0x1, s16;
	v25 =	vshrl.u32 v25, $0x3;
	v29 =	vmov s21;
	[tilespmem:v30+s28+$0x0] =	vst.idx.msk $0xffff, v27;
	v26 =	vld [tilespmem:s17+$0xFFFFFF80];
	v27 =	vadd.s32 v9, v22  }
0x97: {  	v25 =	vshll.u32 v25, v1;
	[tilespmem:v28+s28+$0x0] =	vst.idx.msk $0xffff, v24;
	v24 =	vmov s22;
	v28 =	vld [tilespmem:s19+$0x20];
	v30 =	vadd.s32 v3, v21  }
0x98: {  	s21 =	sadd.s32 $0xA, s16;
	v21 =	vadd.s32 v4, v21;
	v25 =	vbroadcast v25, $0x0;
	v24 =	vshrl.u32 v24, $0x3;
	v32 =	vld [tilespmem:s19+$0x30];
	[tilespmem:v34+s28+$0x0] =	vst.idx.msk $0xffff, v33  }
0x99: {  	v22 =	vadd.s32 v10, v22;
	v33 =	vmov s21;
	v24 =	vshll.u32 v24, v1;
	v34 =	vld [tilespmem:s17+$0xFFFFFF90];
	[tilespmem:v23+s28+$0x0] =	vst.idx.msk $0xffff, v31  }
0x9a: {  	s21 =	sadd.s32 $0x5, s15;
	[tilespmem:v20+s28+$0x0] =	vst.idx.msk $0xffff, v19;
	v19 =	vbroadcast v24, $0x0;
	v20 =	vshrl.u32 v33, $0x3;
	v23 =	vld [tilespmem:s17+$0xC0];
	v24 =	vadd.s32 v13, v25  }
0x9b: {  	v25 =	vadd.s32 v14, v25;
	v20 =	vshll.u32 v20, v1;
	[tilespmem:v27+s28+$0x0] =	vst.idx.msk $0xffff, v26;
	v26 =	vmov s21;
	v27 =	vld [tilespmem:s17+$0xD0];
	s21 =	sadd.s32 $0xF, s15  }
0x9c: {  	s22 =	sadd.s32 $0x3, s16;
	v31 =	vld [tilespmem:s19+$0xFFFFFF20];
	v33 =	vadd.s32 v3, v19;
	[tilespmem:v30+s28+$0x0] =	vst.idx.msk $0xffff, v28;
	v20 =	vbroadcast v20, $0x0;
	v28 =	vmov s21  }
0x9d: {  	v35 =	vmov s22;
	v19 =	vadd.s32 v4, v19;
	s21 =	sadd.s32 $0x2, s16;
	v30 =	vld [tilespmem:s19+$0xFFFFFF30];
	[tilespmem:v21+s28+$0x0] =	vst.idx.msk $0xffff, v32;
	v21 =	vshrl.u32 v28, $0x3  }
0x9e: {  	v28 =	vmov s21;
	v32 =	vld [tilespmem:s19+$0x40];
	v36 =	vadd.s32 v5, v20;
	[tilespmem:v22+s28+$0x0] =	vst.idx.msk $0xffff, v34;
	v21 =	vshll.u32 v21, v1  }
0x9f: {  	s21 =	sadd.s32 $0xB, s16;
	v22 =	vshrl.u32 v28, $0x3;
	v20 =	vadd.s32 v6, v20;
	v28 =	vld [tilespmem:s19+$0x50];
	[tilespmem:v24+s28+$0x0] =	vst.idx.msk $0xffff, v23;
	v21 =	vbroadcast v21, $0x0  }
0xa0: {  	v18 =	vadd.s32 v16, v18;
	v22 =	vshll.u32 v22, v1;
	v23 =	vmov s21;
	v24 =	vld [tilespmem:s17+$0xFFFFFFA0];
	[tilespmem:v25+s28+$0x0] =	vst.idx.msk $0xffff, v27  }
0xa1: {  	v22 =	vbroadcast v22, $0x0;
	v23 =	vshrl.u32 v23, $0x3;
	[tilespmem:v33+s28+$0x0] =	vst.idx.msk $0xffff, v31;
	v25 =	vld [tilespmem:s17+$0xE0];
	v27 =	vadd.s32 v15, v21  }
0xa2: {  	v29 =	vshrl.u32 v29, $0x3;
	v21 =	vadd.s32 v16, v21;
	[tilespmem:v19+s28+$0x0] =	vst.idx.msk $0xffff, v30;
	v19 =	vshll.u32 v23, v1;
	v23 =	vld [tilespmem:s17+$0xF0]  }
0xa3: {  	v26 =	vshrl.u32 v26, $0x3;
	v31 =	vadd.s32 v5, v22;
	v30 =	vld [tilespmem:s19+$0xFFFFFF40];
	[tilespmem:v36+s28+$0x0] =	vst.idx.msk $0xffff, v32;
	v19 =	vbroadcast v19, $0x0  }
0xa4: {  	v33 =	vshrl.u32 v35, $0x3;
	v22 =	vadd.s32 v6, v22;
	v32 =	vld [tilespmem:s19+$0xFFFFFF50];
	[tilespmem:v20+s28+$0x0] =	vst.idx.msk $0xffff, v28;
	v20 =	vshll.u32 v26, v1  }
0xa5: {  	v29 =	vshll.u32 v29, v1;
	v26 =	vld [tilespmem:s19+$0x60];
	v28 =	vadd.s32 v7, v19;
	v20 =	vbroadcast v20, $0x0;
	[tilespmem:v18+s28+$0x0] =	vst.idx.msk $0xffff, v17  }
0xa6: {  	v34 =	vmov s20;
	s21 =	sadd.s32 $0xC, s16;
	v17 =	vshll.u32 v33, v1;
	v19 =	vadd.s32 v8, v19;
	v33 =	vld [tilespmem:s19+$0x70];
	[tilespmem:v27+s28+$0x0] =	vst.idx.msk $0xffff, v25  }
0xa7: {  	v18 =	vbroadcast v29, $0x0;
	v25 =	vmov s21;
	v27 =	vld [tilespmem:s17+$0xFFFFFFB0];
	v35 =	vadd.s32 v11, v20;
	[tilespmem:v21+s28+$0x0] =	vst.idx.msk $0xffff, v23  }
0xa8: {  	s21 =	sadd.s32 $0x6, s15;
	v21 =	vbroadcast v17, $0x0;
	v17 =	vshrl.u32 v25, $0x3;
	v20 =	vadd.s32 v12, v20;
	[tilespmem:v31+s28+$0x0] =	vst.idx.msk $0xffff, v30;
	v23 =	vld [tilespmem:s14+$0xFFFFFFE0]  }
0xa9: {  	v25 =	vmov s21;
	v29 =	vadd.s32 v15, v18;
	[tilespmem:v22+s28+$0x0] =	vst.idx.msk $0xffff, v32;
	v22 =	vshll.u32 v17, v1;
	v17 =	vld [tilespmem:s14+$0xFFFFFFF0];
	s14 =	smov.u32 s17;
	s17 =	smov.u32 s19  }
0xaa: {  	s21 =	sadd.s32 $0x8, s20;
	v25 =	vshrl.u32 v25, $0x3;
	v31 =	vadd.s32 v7, v21;
	v30 =	vld [tilespmem:s19+$0xFFFFFF60];
	[tilespmem:v28+s28+$0x0] =	vst.idx.msk $0xffff, v26;
	v22 =	vbroadcast v22, $0x0  }
0xab: {  	v32 =	vadd.s32 v8, v21;
	v26 =	vmov s21;
	v28 =	vld [tilespmem:s19+$0xFFFFFF70];
	[tilespmem:v19+s28+$0x0] =	vst.idx.msk $0xffff, v33;
	v19 =	vshll.u32 v25, v1  }
0xac: {  	v21 =	vshrl.u32 v26, $0x3;
	v33 =	vld [tilespmem:s19+$0x80];
	v36 =	vadd.s32 v9, v22;
	[tilespmem:v35+s28+$0x0] =	vst.idx.msk $0xffff, v24;
	v24 =	vbroadcast v19, $0x0  }
0xad: {  	s21 =	sadd.s32 $0xD, s16;
	v19 =	vshrl.u32 v34, $0x3;
	v21 =	vshll.u32 v21, v1;
	v35 =	vadd.s32 v10, v22;
	v34 =	vld [tilespmem:s19+$0x90];
	[tilespmem:v20+s28+$0x0] =	vst.idx.msk $0xffff, v27  }
.Ltmp0:
0xae: {  	v37 =	vbroadcast v21, $0x0;
	v20 =	vmov s21;
	v21 =	vld [tilespmem:s14+$0xFFFFFFC0];
	v22 =	vadd.s32 v13, v24;
	[tilespmem:v29+s28+$0x0] =	vst.idx.msk $0xffff, v23;
	(pc) =	sbr.rel @p0 .LBB2_3-.Ltmp0, $4  }
0xaf: {  	s19 =	sadd.s32 $0x200, s19;
	v23 =	vshll.u32 v19, v1;
	v27 =	vshrl.u32 v20, $0x3;
	v20 =	vadd.s32 v14, v24;
	[tilespmem:v31+s28+$0x0] =	vst.idx.msk $0xffff, v30;
	v19 =	vld [tilespmem:s14+$0xFFFFFFD0]  }
0xb0: {  	s21 =	sadd.s32 $0x4, s16;
	v25 =	vbroadcast v23, $0x0;
	v29 =	vadd.s32 v0, v37;
	v23 =	vshll.u32 v27, v1;
	v26 =	vld [tilespmem:s19+$0x0];
	[tilespmem:v32+s28+$0x0] =	vst.idx.msk $0xffff, v28  }
0xb1: {  	s22 =	sadd.s32 $0x9, s20;
	v30 =	vadd.s32 v2, v37;
	v31 =	vmov s21;
	v23 =	vbroadcast v23, $0x0;
	v27 =	vld [tilespmem:s19+$0x10];
	[tilespmem:v36+s28+$0x0] =	vst.idx.msk $0xffff, v33  }
0xb2: {  	s20 =	sadd.s32 $0x10, s20;
	v32 =	vmov s22;
	v31 =	vshrl.u32 v31, $0x3;
	v28 =	vadd.s32 v0, v25;
	v24 =	vld [tilespmem:s19+$0xFFFFFF00];
	[tilespmem:v35+s28+$0x0] =	vst.idx.msk $0xffff, v34  }
0xb3: {  	_ =	sdelay $0x1  }
0xb4: {  	v32 =	vshrl.u32 v32, $0x3  }
0xb5: {  	v32 =	vshll.u32 v32, v1  }
0xb6: {  	v33 =	vld [tilespmem:s19+$0xFFFFFF10];
	v25 =	vadd.s32 v2, v25;
	s20 =	sadd.s32 $0x1, s18;
	[tilespmem:v29+s28+$0x0] =	vst.idx.msk $0xffff, v26;
	v36 =	vbroadcast v32, $0x0  }
0xb7: {  	v37 =	vmov s20;
	[tilespmem:v30+s28+$0x0] =	vst.idx.msk $0xffff, v27  }
0xb8: {  	v27 =	vshrl.u32 v37, $0x3;
	v29 =	vld [tilespmem:s19+$0x20];
	v38 =	vadd.s32 v3, v36  }
0xb9: {  	s21 =	sadd.s32 $0xA, s18;
	v39 =	vld [tilespmem:s19+$0x30];
	v26 =	vadd.s32 v4, v36;
	v27 =	vshll.u32 v27, v1  }
0xba: {  	v40 =	vmov s21;
	[tilespmem:v28+s28+$0x0] =	vst.idx.msk $0xffff, v24;
	v27 =	vbroadcast v27, $0x0  }
0xbb: {  	v24 =	vshrl.u32 v40, $0x3;
	[tilespmem:v25+s28+$0x0] =	vst.idx.msk $0xffff, v33  }
0xbc: {  	v24 =	vshll.u32 v24, v1;
	v25 =	vld [tilespmem:s19+$0xFFFFFF20];
	v41 =	vadd.s32 v3, v27  }
0xbd: {  	s22 =	sadd.s32 $0x2, s18;
	v24 =	vbroadcast v24, $0x0;
	v42 =	vld [tilespmem:s19+$0xFFFFFF30];
	v27 =	vadd.s32 v4, v27;
	[tilespmem:v38+s28+$0x0] =	vst.idx.msk $0xffff, v29  }
0xbe: {  	v43 =	vld [tilespmem:s17+$0xA0];
	v44 =	vadd.s32 v11, v23;
	v45 =	vmov s22;
	[tilespmem:v26+s28+$0x0] =	vst.idx.msk $0xffff, v39  }
0xbf: {  	v31 =	vshll.u32 v31, v1;
	[tilespmem:v22+s28+$0x0] =	vst.idx.msk $0xffff, v21;
	v34 =	vadd.s32 v5, v24;
	v26 =	vshrl.u32 v45, $0x3;
	v32 =	vld [tilespmem:s19+$0x40]  }
0xc0: {  	s23 =	sadd.s32 $0xB, s18;
	v46 =	vbroadcast v31, $0x0;
	[tilespmem:v20+s28+$0x0] =	vst.idx.msk $0xffff, v19;
	v24 =	vadd.s32 v6, v24;
	v47 =	vld [tilespmem:s19+$0x50];
	v26 =	vshll.u32 v26, v1  }
0xc1: {  	v48 =	vld [tilespmem:s17+$0xB0];
	v49 =	vadd.s32 v12, v23;
	v35 =	vmov s23;
	[tilespmem:v41+s28+$0x0] =	vst.idx.msk $0xffff, v25;
	v50 =	vbroadcast v26, $0x0  }
0xc2: {  	v51 =	vld [tilespmem:s17+$0xFFFFFF80];
	s21 =	sadd.s32 $0xE, s16;
	v35 =	vshrl.u32 v35, $0x3;
	v52 =	vadd.s32 v9, v46;
	[tilespmem:v27+s28+$0x0] =	vst.idx.msk $0xffff, v42  }
0xc3: {  	v53 =	vmov s21;
	v54 =	vshll.u32 v35, v1;
	[tilespmem:v44+s28+$0x0] =	vst.idx.msk $0xffff, v43;
	v55 =	vld [tilespmem:s19+$0xFFFFFF40];
	v56 =	vadd.s32 v5, v50  }
0xc4: {  	s22 =	sadd.s32 $0x3, s18;
	v29 =	vbroadcast v54, $0x0;
	v27 =	vshrl.u32 v53, $0x3;
	v57 =	vld [tilespmem:s19+$0xFFFFFF50];
	v25 =	vadd.s32 v6, v50;
	[tilespmem:v34+s28+$0x0] =	vst.idx.msk $0xffff, v32  }
0xc5: {  	v58 =	vld [tilespmem:s17+$0xFFFFFF90];
	v59 =	vmov s22;
	v21 =	vadd.s32 v10, v46;
	v27 =	vshll.u32 v27, v1;
	[tilespmem:v24+s28+$0x0] =	vst.idx.msk $0xffff, v47  }
0xc6: {  	v61 =	vshrl.u32 v59, $0x3;
	[tilespmem:v49+s28+$0x0] =	vst.idx.msk $0xffff, v48;
	v62 =	vadd.s32 v7, v29;
	v60 =	vbroadcast v27, $0x0;
	v24 =	vld [tilespmem:s19+$0x60]  }
0xc7: {  	s23 =	sadd.s32 $0xC, s18;
	v23 =	vshll.u32 v61, v1;
	[tilespmem:v52+s28+$0x0] =	vst.idx.msk $0xffff, v51;
	v36 =	vadd.s32 v8, v29;
	v63 =	vld [tilespmem:s19+$0x70]  }
0xc8: {  	v23 =	vbroadcast v23, $0x0;
	v37 =	vld [tilespmem:s17+$0xC0];
	v39 =	vmov s23;
	v38 =	vadd.s32 v13, v60;
	[tilespmem:v56+s28+$0x0] =	vst.idx.msk $0xffff, v55  }
0xc9: {  	v18 =	vadd.s32 v16, v18;
	v40 =	vld [tilespmem:s17+$0xD0];
	v41 =	vshrl.u32 v39, $0x3;
	v22 =	vadd.s32 v14, v60;
	[tilespmem:v25+s28+$0x0] =	vst.idx.msk $0xffff, v57  }
0xca: {  	s21 =	sadd.s32 $0x5, s16;
	v44 =	vadd.s32 v7, v23;
	[tilespmem:v21+s28+$0x0] =	vst.idx.msk $0xffff, v58;
	v43 =	vshll.u32 v41, v1;
	v32 =	vld [tilespmem:s19+$0xFFFFFF60]  }
0xcb: {  	s20 =	sadd.s32 $0xF, s16;
	s22 =	sadd.s32 $0x4, s18;
	v23 =	vadd.s32 v8, v23;
	v21 =	vbroadcast v43, $0x0;
	v47 =	vmov s21;
	v46 =	vld [tilespmem:s19+$0xFFFFFF70];
	[tilespmem:v62+s28+$0x0] =	vst.idx.msk $0xffff, v24  }
0xcc: {  	v48 =	vmov s22;
	v45 =	vmov s20;
	v19 =	vshrl.u32 v47, $0x3;
	[tilespmem:v36+s28+$0x0] =	vst.idx.msk $0xffff, v63  }
0xcd: {  	v26 =	vshrl.u32 v48, $0x3;
	v51 =	vadd.s32 v9, v21;
	v19 =	vshll.u32 v19, v1;
	[tilespmem:v38+s28+$0x0] =	vst.idx.msk $0xffff, v37;
	v50 =	vld [tilespmem:s19+$0x80]  }
0xce: {  	s23 =	sadd.s32 $0xD, s18;
	v26 =	vshll.u32 v26, v1;
	v21 =	vadd.s32 v10, v21;
	v19 =	vbroadcast v19, $0x0;
	[tilespmem:v22+s28+$0x0] =	vst.idx.msk $0xffff, v40;
	v52 =	vld [tilespmem:s19+$0x90]  }
0xcf: {  	v54 =	vmov s23;
	v53 =	vld [tilespmem:s17+$0xFFFFFFA0];
	v26 =	vbroadcast v26, $0x0;
	v34 =	vshrl.u32 v45, $0x3;
	[tilespmem:v44+s28+$0x0] =	vst.idx.msk $0xffff, v32  }
0xd0: {  	v49 =	vshll.u32 v34, v1;
	v34 =	vshrl.u32 v54, $0x3;
	v37 =	vadd.s32 v11, v19;
	v55 =	vld [tilespmem:s17+$0xE0];
	[tilespmem:v23+s28+$0x0] =	vst.idx.msk $0xffff, v46  }
0xd1: {  	v58 =	vadd.s32 v9, v26;
	v28 =	vbroadcast v49, $0x0;
	v57 =	vshll.u32 v34, v1;
	v23 =	vld [tilespmem:s19+$0xFFFFFF80]  }
0xd2: {  	s15 =	sadd.s32 $0x7, s15;
	s20 =	sadd.s32 $0x5, s18;
	v26 =	vadd.s32 v10, v26;
	v20 =	vbroadcast v57, $0x0;
	v59 =	vld [tilespmem:s19+$0xFFFFFF90];
	[tilespmem:v51+s28+$0x0] =	vst.idx.msk $0xffff, v50  }
0xd3: {  	s22 =	sadd.s32 $0x6, s16;
	v61 =	vmov s20;
	v42 =	vmov s15;
	v56 =	vadd.s32 v15, v28;
	v36 =	vld [tilespmem:s17+$0xFFFFFFB0];
	[tilespmem:v21+s28+$0x0] =	vst.idx.msk $0xffff, v52  }
0xd4: {  	[tilespmem:v18+s28+$0x0] =	vst.idx.msk $0xffff, v17;
	v41 =	vmov s22;
	v18 =	vadd.s32 v11, v20;
	v21 =	vshrl.u32 v61, $0x3;
	v17 =	vld [tilespmem:s19+$0xA0]  }
0xd5: {  	s21 =	sadd.s32 $0xE, s18;
	v25 =	vshrl.u32 v42, $0x3;
	v20 =	vadd.s32 v12, v20;
	[tilespmem:v37+s28+$0x0] =	vst.idx.msk $0xffff, v53;
	v63 =	vld [tilespmem:s19+$0xB0];
	v21 =	vshll.u32 v21, v1  }
0xd6: {  	v39 =	vld [tilespmem:s14+$0xFFFFFFE0];
	v38 =	vmov s21;
	v19 =	vadd.s32 v12, v19;
	[tilespmem:v58+s28+$0x0] =	vst.idx.msk $0xffff, v23;
	v21 =	vbroadcast v21, $0x0  }
0xd7: {  	v28 =	vadd.s32 v16, v28;
	v62 =	vshll.u32 v25, v1;
	v40 =	vshrl.u32 v38, $0x3;
	v60 =	vld [tilespmem:s17+$0xF0];
	[tilespmem:v26+s28+$0x0] =	vst.idx.msk $0xffff, v59  }
0xd8: {  	v22 =	vbroadcast v62, $0x0;
	v24 =	vshll.u32 v40, v1;
	[tilespmem:v56+s28+$0x0] =	vst.idx.msk $0xffff, v55;
	v27 =	vld [tilespmem:s19+$0xFFFFFFA0];
	v42 =	vadd.s32 v11, v21  }
0xd9: {  	s23 =	sadd.s32 $0x6, s18;
	v26 =	vshrl.u32 v41, $0x3;
	v21 =	vadd.s32 v12, v21;
	[tilespmem:v18+s28+$0x0] =	vst.idx.msk $0xffff, v17;
	v17 =	vbroadcast v24, $0x0;
	v18 =	vld [tilespmem:s19+$0xFFFFFFB0]  }
0xda: {  	v43 =	vld [tilespmem:s14+$0xFFFFFFF0];
	v45 =	vmov s23;
	v44 =	vadd.s32 v15, v22;
	v26 =	vshll.u32 v26, v1;
	[tilespmem:v20+s28+$0x0] =	vst.idx.msk $0xffff, v63  }
0xdb: {  	[tilespmem:v19+s28+$0x0] =	vst.idx.msk $0xffff, v36;
	v46 =	vbroadcast v26, $0x0;
	v20 =	vshrl.u32 v45, $0x3;
	v47 =	vld [tilespmem:s19+$0xC0];
	v48 =	vadd.s32 v13, v17  }
0xdc: {  	s20 =	sadd.s32 $0xF, s18;
	[tilespmem:v28+s28+$0x0] =	vst.idx.msk $0xffff, v60;
	v19 =	vld [tilespmem:s19+$0xD0];
	v17 =	vadd.s32 v14, v17;
	v20 =	vshll.u32 v20, v1  }
0xdd: {  	v31 =	vld [tilespmem:s17+$0xFFFFFFC0];
	v50 =	vmov s20;
	v49 =	vadd.s32 v13, v46;
	[tilespmem:v42+s28+$0x0] =	vst.idx.msk $0xffff, v27;
	v20 =	vbroadcast v20, $0x0  }
0xde: {  	s21 =	sadd.s32 $0x7, s16;
	v51 =	vld [tilespmem:s17+$0xFFFFFFD0];
	v52 =	vshrl.u32 v50, $0x3;
	v25 =	vadd.s32 v14, v46;
	[tilespmem:v21+s28+$0x0] =	vst.idx.msk $0xffff, v18  }
0xdf: {  	[tilespmem:v44+s28+$0x0] =	vst.idx.msk $0xffff, v39;
	v53 =	vshll.u32 v52, v1;
	v18 =	vmov s21;
	v55 =	vadd.s32 v13, v20;
	v54 =	vld [tilespmem:s19+$0xFFFFFFC0]  }
0xe0: {  	s22 =	sadd.s32 $0x7, s18;
	v21 =	vbroadcast v53, $0x0;
	v20 =	vadd.s32 v14, v20;
	v18 =	vshrl.u32 v18, $0x3;
	v56 =	vld [tilespmem:s19+$0xFFFFFFD0];
	[tilespmem:v48+s28+$0x0] =	vst.idx.msk $0xffff, v47  }
0xe1: {  	v18 =	vshll.u32 v18, v1;
	[tilespmem:v17+s28+$0x0] =	vst.idx.msk $0xffff, v19;
	v17 =	vadd.s32 v16, v22;
	v19 =	vmov s22  }
0xe2: {  	[tilespmem:v49+s28+$0x0] =	vst.idx.msk $0xffff, v31;
	v58 =	vadd.s32 v15, v21;
	v18 =	vbroadcast v18, $0x0;
	v57 =	vld [tilespmem:s19+$0xE0];
	v19 =	vshrl.u32 v19, $0x3  }
0xe3: {  	[tilespmem:v25+s28+$0x0] =	vst.idx.msk $0xffff, v51;
	v21 =	vadd.s32 v16, v21;
	v59 =	vld [tilespmem:s19+$0xF0];
	v19 =	vshll.u32 v19, v1  }
0xe4: {  	v27 =	vld [tilespmem:s17+$0xFFFFFFE0];
	v60 =	vadd.s32 v15, v18;
	[tilespmem:v55+s28+$0x0] =	vst.idx.msk $0xffff, v54;
	v19 =	vbroadcast v19, $0x0  }
0xe5: {  	v61 =	vld [tilespmem:s17+$0xFFFFFFF0];
	v18 =	vadd.s32 v16, v18;
	[tilespmem:v20+s28+$0x0] =	vst.idx.msk $0xffff, v56  }
0xe6: {  	[tilespmem:v17+s28+$0x0] =	vst.idx.msk $0xffff, v43;
	v17 =	vld [tilespmem:s19+$0xFFFFFFE0];
	v62 =	vadd.s32 v15, v19  }
0xe7: {  	v63 =	vld [tilespmem:s19+$0xFFFFFFF0];
	v19 =	vadd.s32 v16, v19;
	[tilespmem:v58+s28+$0x0] =	vst.idx.msk $0xffff, v57  }
0xe8: {  	s23 =	sshll.u32 s13, $0x14;
	[tilespmem:v21+s28+$0x0] =	vst.idx.msk $0xffff, v59  }
0xe9: {  	s14 =	sor.u32 s4, s23;
	[tilespmem:v60+s28+$0x0] =	vst.idx.msk $0xffff, v27  }
0xea: {  	s14 =	sshrl.u32 s14, $0x3;
	[tilespmem:v18+s28+$0x0] =	vst.idx.msk $0xffff, v61  }
0xeb: {  	s18 =	simm.s32 $0xE608;
	s15 =	sadd.s32 s5, s14;
	[tilespmem:v62+s28+$0x0] =	vst.idx.msk $0xffff, v17  }
0xec: {  	s16 =	simm.s32 $0xE400;
	s17 =	simm.s32 $0x800;
	s19 =	sadd.s32 $0x0, s15;
	[tilespmem:v19+s28+$0x0] =	vst.idx.msk $0xffff, v63  }
.LBB2_5:
0xed: {  	[hbm4b:s19+s2] =	stream.linear.scatter [tilespmem:s16], [sflag:$0x3], $0x200, $0x38;
	[tilespmem:$0x16600] =	vst v63  }
0xee: {  	s19 =	smov.u32 s17;
	s16 =	smov.u32 s18;
	p0 =	sne.s32 s17, $0xF800  }
.Ltmp1:
0xef: {  	s17 =	sadd.s32 $0x800, s17;
	(pc) =	sbr.rel @p0 .LBB2_5-.Ltmp1, $2  }
0xf0: {  	_ =	sdelay $0x2  }
0xf1: {  	s18 =	sadd.s32 $0x208, s18;
	s19 =	sadd.s32 s19, s15  }
0xf2: {  	[hbm4b:s19+s2] =	stream.linear.scatter [tilespmem:s16], [sflag:$0x3], $0x200, $0x38;
	[tilespmem:$0x16600] =	vst v63  }
0xf3: {  	p0 =	seq.s32 s13, $0x18  }
0xf4: {  	s15 =	sadd.s32 @!p0 $0x400, s10;
	s16 =	simm.s32 @!p0 $0x80;
	s17 =	simm.s32 @!p0 $0x6400  }
0xf5: {  	[tilespmem:s17], [sflag:$0x1] =	stream.indirect.gather @!p0 [hbm4b:s3+s16], $0x20, s15, s16, $0xb8;
	[tilespmem:$0x16600] =	vst v63  }
0xf6: {  	s15 =	sadd.s32 @!p0 $0x480, s10;
	s17 =	simm.s32 @!p0 $0x7400  }
0xf7: {  	[tilespmem:s17], [sflag:$0x1] =	stream.indirect.gather @!p0 [hbm4b:s3+s16], $0x20, s15, s16, $0xb8;
	[tilespmem:$0x16600] =	vst v63  }
0xf8: {  	s15 =	sadd.s32 @!p0 $0x500, s10;
	s17 =	simm.s32 @!p0 $0x8400  }
0xf9: {  	[tilespmem:s17], [sflag:$0x1] =	stream.indirect.gather @!p0 [hbm4b:s3+s16], $0x20, s15, s16, $0xb8;
	[tilespmem:$0x16600] =	vst v63  }
0xfa: {  	s15 =	sadd.s32 @!p0 $0x580, s10;
	s17 =	simm.s32 @!p0 $0x9400  }
0xfb: {  	[tilespmem:s17], [sflag:$0x1] =	stream.indirect.gather @!p0 [hbm4b:s3+s16], $0x20, s15, s16, $0xb8;
	[tilespmem:$0x16600] =	vst v63  }
0xfc: {  	_ =	swait.ge [sflag:s29], $0x1000  }
0xfd: {  	[sflag:s29] =	ssyncset.done $0x0  }
0xfe: {  	[sflag:s29] =	ssyncadd.s32 $0xFFFFF000  }
0xff: {  	_ =	swait.ge [sflag:s29], $0x1000  }
0x100: {  	[sflag:s29] =	ssyncset.done $0x0  }
0x101: {  	[sflag:s29] =	ssyncadd.s32 $0xFFFFF000  }
0x102: {  	_ =	swait.ge [sflag:s29], $0x1000  }
0x103: {  	[sflag:s29] =	ssyncset.done $0x0  }
0x104: {  	[sflag:s29] =	ssyncadd.s32 $0xFFFFF000  }
0x105: {  	s22 =	simm.s32 $0x8;
	_ =	swait.ge [sflag:s29], $0x1000  }
0x106: {  	v17 =	vmov s22;
	[sflag:s29] =	ssyncset.done $0x0  }
0x107: {  	v17 =	vshrl.u32 v17, $0x3;
	s15 =	simm.s32 @!p1 $0x4;
	[sflag:s29] =	ssyncadd.s32 $0xFFFFF000  }
0x108: {  	v17 =	vshll.u32 v17, v1;
	_ =	swait.ge @!p1 [sflag:s15], $0x4000  }
0x109: {  	v17 =	vbroadcast v17, $0x0;
	[sflag:s15] =	ssyncset.done @!p1 $0x0  }
0x10a: {  	s20 =	simm.s32 $0xA500;
	[sflag:s15] =	ssyncadd.s32 @!p1 $0xFFFFC000  }
0x10b: {  	v19 =	vadd.s32 v0, v17;
	v18 =	vld [tilespmem:s20+$0x0]  }
0x10c: {  	s23 =	simm.s32 $0x9;
	v17 =	vadd.s32 v2, v17;
	v20 =	vld [tilespmem:s20+$0x10]  }
0x10d: {  	v21 =	vmov s23  }
0x10e: {  	v21 =	vshrl.u32 v21, $0x3  }
0x10f: {  	v21 =	vshll.u32 v21, v1  }
0x110: {  	s16 =	simm.s32 $0x0;
	[tilespmem:v19+s30+$0x0] =	vst.idx.msk $0xffff, v18;
	v18 =	vbroadcast v21, $0x0  }
0x111: {  	v19 =	vmov s16;
	[tilespmem:v17+s30+$0x0] =	vst.idx.msk $0xffff, v20  }
0x112: {  	v17 =	vshrl.u32 v19, $0x3;
	v19 =	vld [tilespmem:s20+$0x20];
	v20 =	vadd.s32 v3, v18  }
0x113: {  	s17 =	simm.s32 $0xA;
	v17 =	vshll.u32 v17, v1;
	v21 =	vld [tilespmem:s20+$0x30];
	v18 =	vadd.s32 v4, v18  }
0x114: {  	v22 =	vmov s17;
	v17 =	vbroadcast v17, $0x0  }
0x115: {  	v22 =	vshrl.u32 v22, $0x3  }
0x116: {  	v22 =	vshll.u32 v22, v1;
	v23 =	vld [tilespmem:s20+$0xFFFFFF00];
	v24 =	vadd.s32 v0, v17  }
0x117: {  	s18 =	simm.s32 $0x1;
	v25 =	vld [tilespmem:s20+$0xFFFFFF10];
	v17 =	vadd.s32 v2, v17;
	[tilespmem:v20+s30+$0x0] =	vst.idx.msk $0xffff, v19;
	v19 =	vbroadcast v22, $0x0  }
0x118: {  	v20 =	vmov s18;
	[tilespmem:v18+s30+$0x0] =	vst.idx.msk $0xffff, v21  }
0x119: {  	v18 =	vshrl.u32 v20, $0x3;
	v20 =	vld [tilespmem:s20+$0x40];
	v21 =	vadd.s32 v5, v19  }
0x11a: {  	s19 =	simm.s32 $0xB;
	v18 =	vshll.u32 v18, v1;
	v22 =	vld [tilespmem:s20+$0x50];
	v19 =	vadd.s32 v6, v19  }
0x11b: {  	[tilespmem:v24+s30+$0x0] =	vst.idx.msk $0xffff, v23;
	v18 =	vbroadcast v18, $0x0;
	v23 =	vmov s19  }
0x11c: {  	[tilespmem:v17+s30+$0x0] =	vst.idx.msk $0xffff, v25;
	v17 =	vshrl.u32 v23, $0x3  }
0x11d: {  	s21 =	simm.s32 $0x2;
	v23 =	vld [tilespmem:s20+$0xFFFFFF20];
	v24 =	vadd.s32 v3, v18;
	v17 =	vshll.u32 v17, v1  }
0x11e: {  	v26 =	vmov s21;
	v25 =	vld [tilespmem:s20+$0xFFFFFF30];
	v18 =	vadd.s32 v4, v18;
	v17 =	vbroadcast v17, $0x0;
	[tilespmem:v21+s30+$0x0] =	vst.idx.msk $0xffff, v20  }
0x11f: {  	v20 =	vshrl.u32 v26, $0x3;
	[tilespmem:v19+s30+$0x0] =	vst.idx.msk $0xffff, v22  }
0x120: {  	v19 =	vshll.u32 v20, v1;
	v21 =	vadd.s32 v7, v17;
	v20 =	vld [tilespmem:s20+$0x60]  }
0x121: {  	s23 =	simm.s32 $0xC;
	v17 =	vadd.s32 v8, v17;
	v19 =	vbroadcast v19, $0x0;
	v22 =	vld [tilespmem:s20+$0x70]  }
0x122: {  	s22 =	simm.s32 $0x3;
	[tilespmem:v24+s30+$0x0] =	vst.idx.msk $0xffff, v23;
	v23 =	vmov s23  }
0x123: {  	s17 =	simm.s32 $0x18;
	v26 =	vmov s22;
	[tilespmem:v18+s30+$0x0] =	vst.idx.msk $0xffff, v25;
	v18 =	vadd.s32 v5, v19;
	v23 =	vshrl.u32 v23, $0x3  }
0x124: {  	v25 =	vshrl.u32 v26, $0x3;
	v26 =	vmov s17;
	v24 =	vld [tilespmem:s20+$0xFFFFFF40];
	v23 =	vshll.u32 v23, v1  }
0x125: {  	v19 =	vadd.s32 v6, v19;
	v27 =	vld [tilespmem:s20+$0xFFFFFF50];
	[tilespmem:v21+s30+$0x0] =	vst.idx.msk $0xffff, v20;
	v20 =	vbroadcast v23, $0x0;
	v21 =	vshrl.u32 v26, $0x3  }
0x126: {  	v25 =	vshll.u32 v25, v1;
	[tilespmem:v17+s30+$0x0] =	vst.idx.msk $0xffff, v22;
	v17 =	vshll.u32 v21, v1  }
0x127: {  	s16 =	simm.s32 $0x10;
	s19 =	simm.s32 $0x19;
	v23 =	vbroadcast v25, $0x0;
	v22 =	vld [tilespmem:s20+$0x80];
	v25 =	vadd.s32 v9, v20;
	v17 =	vbroadcast v17, $0x0  }
0x128: {  	s15 =	simm.s32 $0xA700;
	s18 =	simm.s32 $0xD;
	v30 =	vmov s19;
	v21 =	vmov s16;
	v28 =	vld [tilespmem:s20+$0x90];
	v20 =	vadd.s32 v10, v20  }
0x129: {  	[tilespmem:v18+s30+$0x0] =	vst.idx.msk $0xffff, v24;
	v18 =	vshrl.u32 v21, $0x3;
	v21 =	vmov s18;
	v24 =	vld [tilespmem:s15+$0x0];
	v29 =	vadd.s32 v0, v17  }
0x12a: {  	[tilespmem:v19+s30+$0x0] =	vst.idx.msk $0xffff, v27;
	v18 =	vshll.u32 v18, v1;
	v19 =	vshrl.u32 v21, $0x3;
	v21 =	vld [tilespmem:s15+$0x10];
	v17 =	vadd.s32 v2, v17  }
0x12b: {  	v26 =	vadd.s32 v7, v23;
	v27 =	vld [tilespmem:s20+$0xFFFFFF60];
	v18 =	vbroadcast v18, $0x0;
	v19 =	vshll.u32 v19, v1  }
0x12c: {  	v23 =	vadd.s32 v8, v23;
	v31 =	vld [tilespmem:s20+$0xFFFFFF70];
	v19 =	vbroadcast v19, $0x0;
	[tilespmem:v25+s30+$0x0] =	vst.idx.msk $0xffff, v22;
	v22 =	vshrl.u32 v30, $0x3  }
0x12d: {  	s18 =	simm.s32 $0x4;
	v25 =	vld [tilespmem:s15+$0xFFFFFF00];
	v30 =	vadd.s32 v0, v18;
	[tilespmem:v20+s30+$0x0] =	vst.idx.msk $0xffff, v28;
	v20 =	vshll.u32 v22, v1  }
0x12e: {  	v32 =	vmov s18;
	v48 =	vadd.s32 v11, v19;
	v28 =	vld [tilespmem:s20+$0xA0];
	[tilespmem:v29+s30+$0x0] =	vst.idx.msk $0xffff, v24;
	v20 =	vbroadcast v20, $0x0  }
0x12f: {  	v32 =	vshrl.u32 v32, $0x3;
	v18 =	vadd.s32 v2, v18;
	v24 =	vld [tilespmem:s15+$0xFFFFFF10];
	[tilespmem:v17+s30+$0x0] =	vst.idx.msk $0xffff, v21  }
0x130: {  	s22 =	simm.s32 $0x11;
	v22 =	vshll.u32 v32, v1;
	[tilespmem:v26+s30+$0x0] =	vst.idx.msk $0xffff, v27;
	v26 =	vld [tilespmem:s15+$0x20];
	v27 =	vadd.s32 v3, v20  }
0x131: {  	v19 =	vadd.s32 v12, v19;
	v22 =	vbroadcast v22, $0x0;
	v21 =	vmov s22;
	[tilespmem:v23+s30+$0x0] =	vst.idx.msk $0xffff, v31;
	v31 =	vld [tilespmem:s20+$0xB0]  }
0x132: {  	s21 =	simm.s32 $0xE;
	v21 =	vshrl.u32 v21, $0x3;
	v29 =	vld [tilespmem:s15+$0x30];
	v20 =	vadd.s32 v4, v20;
	[tilespmem:v30+s30+$0x0] =	vst.idx.msk $0xffff, v25  }
0x133: {  	s23 =	simm.s32 $0x1A;
	v17 =	vmov s21;
	v23 =	vadd.s32 v9, v22;
	v21 =	vshll.u32 v21, v1;
	v30 =	vld [tilespmem:s20+$0xFFFFFF80];
	[tilespmem:v48+s30+$0x0] =	vst.idx.msk $0xffff, v28  }
0x134: {  	v17 =	vshrl.u32 v17, $0x3;
	v25 =	vmov s23;
	v21 =	vbroadcast v21, $0x0;
	[tilespmem:v18+s30+$0x0] =	vst.idx.msk $0xffff, v24  }
0x135: {  	v22 =	vadd.s32 v10, v22;
	v17 =	vshll.u32 v17, v1;
	v25 =	vshrl.u32 v25, $0x3;
	v28 =	vld [tilespmem:s20+$0xFFFFFF90];
	[tilespmem:v27+s30+$0x0] =	vst.idx.msk $0xffff, v26  }
0x136: {  	v17 =	vbroadcast v17, $0x0;
	v18 =	vshll.u32 v25, v1;
	v24 =	vld [tilespmem:s15+$0xFFFFFF20];
	v25 =	vadd.s32 v3, v21;
	[tilespmem:v19+s30+$0x0] =	vst.idx.msk $0xffff, v31  }
0x137: {  	v18 =	vbroadcast v18, $0x0;
	v21 =	vadd.s32 v4, v21;
	v26 =	vld [tilespmem:s15+$0xFFFFFF30];
	[tilespmem:v20+s30+$0x0] =	vst.idx.msk $0xffff, v29  }
0x138: {  	s18 =	simm.s32 $0x12;
	v19 =	vadd.s32 v13, v17;
	[tilespmem:v23+s30+$0x0] =	vst.idx.msk $0xffff, v30;
	v30 =	vld [tilespmem:s20+$0xC0]  }
0x139: {  	v20 =	vmov s18;
	v29 =	vadd.s32 v5, v18;
	v27 =	vld [tilespmem:s15+$0x40]  }
0x13a: {  	s19 =	simm.s32 $0xF;
	s21 =	simm.s32 $0x1B;
	v17 =	vadd.s32 v14, v17;
	v18 =	vadd.s32 v6, v18;
	v20 =	vshrl.u32 v20, $0x3;
	v23 =	vld [tilespmem:s15+$0x50];
	[tilespmem:v22+s30+$0x0] =	vst.idx.msk $0xffff, v28  }
0x13b: {  	v31 =	vmov s19;
	v20 =	vshll.u32 v20, v1;
	v22 =	vmov s21;
	[tilespmem:v25+s30+$0x0] =	vst.idx.msk $0xffff, v24  }
0x13c: {  	s22 =	simm.s32 $0x5;
	v31 =	vshrl.u32 v31, $0x3;
	v28 =	vld [tilespmem:s20+$0xD0];
	v20 =	vbroadcast v20, $0x0;
	v22 =	vshrl.u32 v22, $0x3;
	[tilespmem:v21+s30+$0x0] =	vst.idx.msk $0xffff, v26  }
0x13d: {  	v24 =	vmov s22;
	v25 =	vshll.u32 v31, v1;
	v31 =	vld [tilespmem:s20+$0xFFFFFFA0];
	v21 =	vshll.u32 v22, v1;
	[tilespmem:v19+s30+$0x0] =	vst.idx.msk $0xffff, v30  }
0x13e: {  	s18 =	simm.s32 $0x1C;
	v24 =	vshrl.u32 v24, $0x3;
	v22 =	vld [tilespmem:s15+$0xFFFFFF40];
	v26 =	vadd.s32 v5, v20;
	v21 =	vbroadcast v21, $0x0;
	[tilespmem:v29+s30+$0x0] =	vst.idx.msk $0xffff, v27  }
0x13f: {  	s23 =	simm.s32 $0x13;
	v25 =	vbroadcast v25, $0x0;
	v20 =	vadd.s32 v6, v20;
	v30 =	vmov s18;
	v27 =	vld [tilespmem:s15+$0xFFFFFF50];
	[tilespmem:v18+s30+$0x0] =	vst.idx.msk $0xffff, v23  }
0x140: {  	v18 =	vshll.u32 v24, v1;
	v23 =	vmov s23;
	v24 =	vadd.s32 v7, v21;
	v19 =	vld [tilespmem:s15+$0x60]  }
0x141: {  	[tilespmem:v17+s30+$0x0] =	vst.idx.msk $0xffff, v28;
	v21 =	vadd.s32 v8, v21;
	v18 =	vbroadcast v18, $0x0;
	v23 =	vshrl.u32 v23, $0x3;
	v28 =	vld [tilespmem:s15+$0x70]  }
0x142: {  	v17 =	vadd.s32 v15, v25;
	v25 =	vadd.s32 v16, v25;
	v29 =	vld [tilespmem:s20+$0xE0];
	v23 =	vshll.u32 v23, v1  }
0x143: {  	s17 =	simm.s32 $0x20;
	v33 =	vld [tilespmem:s20+$0xFFFFFFB0];
	s18 =	simm.s32 $0xA900;
	v49 =	vadd.s32 v11, v18;
	[tilespmem:v26+s30+$0x0] =	vst.idx.msk $0xffff, v22;
	v22 =	vbroadcast v23, $0x0;
	v23 =	vshrl.u32 v30, $0x3  }
0x144: {  	s19 =	simm.s32 $0x6;
	v50 =	vld [tilespmem:s18+$0x10];
	v18 =	vadd.s32 v12, v18;
	v30 =	vmov s17;
	[tilespmem:v20+s30+$0x0] =	vst.idx.msk $0xffff, v27;
	v20 =	vshll.u32 v23, v1  }
0x145: {  	s21 =	simm.s32 $0x28;
	v26 =	vld [tilespmem:s20+$0xF0];
	v23 =	vmov s19;
	v34 =	vadd.s32 v7, v22;
	[tilespmem:v24+s30+$0x0] =	vst.idx.msk $0xffff, v19;
	v19 =	vbroadcast v20, $0x0  }
0x146: {  	v27 =	vld [tilespmem:s15+$0xFFFFFF60];
	v22 =	vadd.s32 v8, v22;
	v20 =	vshrl.u32 v23, $0x3;
	v23 =	vmov s21;
	[tilespmem:v21+s30+$0x0] =	vst.idx.msk $0xffff, v28  }
0x147: {  	[tilespmem:v17+s30+$0x0] =	vst.idx.msk $0xffff, v29;
	v20 =	vshll.u32 v20, v1;
	v21 =	vshrl.u32 v23, $0x3;
	v23 =	vld [tilespmem:s15+$0x80];
	v28 =	vadd.s32 v9, v19  }
0x148: {  	s22 =	simm.s32 $0x1D;
	[tilespmem:v49+s30+$0x0] =	vst.idx.msk $0xffff, v31;
	v20 =	vbroadcast v20, $0x0;
	v21 =	vshll.u32 v21, v1;
	v31 =	vld [tilespmem:s15+$0x90];
	v19 =	vadd.s32 v10, v19  }
0x149: {  	v24 =	vld [tilespmem:s15+$0xFFFFFF70];
	v17 =	vshrl.u32 v30, $0x3;
	[tilespmem:v18+s30+$0x0] =	vst.idx.msk $0xffff, v33;
	v18 =	vbroadcast v21, $0x0;
	v21 =	vmov s22  }
0x14a: {  	v17 =	vshll.u32 v17, v1;
	[tilespmem:v25+s30+$0x0] =	vst.idx.msk $0xffff, v26;
	v29 =	vld [tilespmem:s20+$0xFFFFFFC0];
	v25 =	vadd.s32 v13, v20;
	v21 =	vshrl.u32 v21, $0x3  }
0x14b: {  	s23 =	simm.s32 $0x14;
	v17 =	vbroadcast v17, $0x0;
	[tilespmem:v34+s30+$0x0] =	vst.idx.msk $0xffff, v27;
	v27 =	vld [tilespmem:s18+$0x0];
	v30 =	vadd.s32 v0, v18;
	v21 =	vshll.u32 v21, v1  }
0x14c: {  	v51 =	vmov s23;
	s21 =	simm.s32 $0x29;
	v26 =	vld [tilespmem:s20+$0xFFFFFFD0];
	v18 =	vadd.s32 v2, v18;
	v21 =	vbroadcast v21, $0x0;
	[tilespmem:v28+s30+$0x0] =	vst.idx.msk $0xffff, v23  }
0x14d: {  	v52 =	vmov s21;
	v33 =	vshrl.u32 v51, $0x3;
	v23 =	vld [tilespmem:s18+$0xFFFFFF00];
	v28 =	vadd.s32 v0, v17;
	[tilespmem:v19+s30+$0x0] =	vst.idx.msk $0xffff, v31  }
0x14e: {  	[tilespmem:v22+s30+$0x0] =	vst.idx.msk $0xffff, v24;
	v22 =	vshll.u32 v33, v1;
	v19 =	vshrl.u32 v52, $0x3;
	v31 =	vadd.s32 v11, v21;
	v24 =	vld [tilespmem:s15+$0xA0]  }
0x14f: {  	s21 =	simm.s32 $0x1E;
	v22 =	vbroadcast v22, $0x0;
	v21 =	vadd.s32 v12, v21;
	[tilespmem:v25+s30+$0x0] =	vst.idx.msk $0xffff, v29;
	v19 =	vshll.u32 v19, v1;
	v25 =	vld [tilespmem:s15+$0xB0]  }
0x150: {  	v17 =	vadd.s32 v2, v17;
	v29 =	vld [tilespmem:s18+$0xFFFFFF10];
	[tilespmem:v30+s30+$0x0] =	vst.idx.msk $0xffff, v27;
	v19 =	vbroadcast v19, $0x0;
	v27 =	vmov s21  }
0x151: {  	s22 =	simm.s32 $0x21;
	v20 =	vadd.s32 v14, v20;
	v30 =	vadd.s32 v9, v22;
	[tilespmem:v18+s30+$0x0] =	vst.idx.msk $0xffff, v50;
	v18 =	vld [tilespmem:s15+$0xFFFFFF80];
	v27 =	vshrl.u32 v27, $0x3  }
0x152: {  	[tilespmem:v28+s30+$0x0] =	vst.idx.msk $0xffff, v23;
	v23 =	vmov s22;
	v28 =	vld [tilespmem:s18+$0x20];
	v53 =	vadd.s32 v3, v19;
	v27 =	vshll.u32 v27, v1  }
0x153: {  	s23 =	simm.s32 $0x2A;
	v54 =	vld [tilespmem:s18+$0x30];
	v19 =	vadd.s32 v4, v19;
	v23 =	vshrl.u32 v23, $0x3;
	[tilespmem:v31+s30+$0x0] =	vst.idx.msk $0xffff, v24;
	v24 =	vbroadcast v27, $0x0  }
0x154: {  	v22 =	vadd.s32 v10, v22;
	v23 =	vshll.u32 v23, v1;
	v27 =	vmov s23;
	v31 =	vld [tilespmem:s15+$0xFFFFFF90];
	[tilespmem:v21+s30+$0x0] =	vst.idx.msk $0xffff, v25  }
0x155: {  	s21 =	simm.s32 $0x7;
	[tilespmem:v17+s30+$0x0] =	vst.idx.msk $0xffff, v29;
	v17 =	vbroadcast v23, $0x0;
	v21 =	vshrl.u32 v27, $0x3;
	v23 =	vld [tilespmem:s15+$0xC0];
	v25 =	vadd.s32 v13, v24  }
0x156: {  	s22 =	simm.s32 $0x1F;
	v27 =	vmov s21;
	v21 =	vshll.u32 v21, v1;
	[tilespmem:v30+s30+$0x0] =	vst.idx.msk $0xffff, v18;
	v18 =	vld [tilespmem:s15+$0xD0];
	v24 =	vadd.s32 v14, v24  }
0x157: {  	s23 =	simm.s32 $0x15;
	v29 =	vld [tilespmem:s18+$0xFFFFFF20];
	v30 =	vadd.s32 v3, v17;
	[tilespmem:v53+s30+$0x0] =	vst.idx.msk $0xffff, v28;
	v21 =	vbroadcast v21, $0x0;
	v28 =	vmov s22  }
0x158: {  	v55 =	vmov s23;
	v56 =	vld [tilespmem:s18+$0xFFFFFF30];
	s21 =	simm.s32 $0x22;
	v17 =	vadd.s32 v4, v17;
	[tilespmem:v19+s30+$0x0] =	vst.idx.msk $0xffff, v54;
	v19 =	vshrl.u32 v28, $0x3  }
0x159: {  	v28 =	vmov s21;
	v33 =	vld [tilespmem:s18+$0x40];
	[tilespmem:v22+s30+$0x0] =	vst.idx.msk $0xffff, v31;
	v22 =	vadd.s32 v5, v21;
	v19 =	vshll.u32 v19, v1  }
0x15a: {  	s23 =	simm.s32 $0x2B;
	v28 =	vshrl.u32 v28, $0x3;
	v31 =	vld [tilespmem:s18+$0x50];
	v21 =	vadd.s32 v6, v21;
	v19 =	vbroadcast v19, $0x0;
	[tilespmem:v25+s30+$0x0] =	vst.idx.msk $0xffff, v23  }
0x15b: {  	v27 =	vshrl.u32 v27, $0x3;
	v25 =	vshll.u32 v28, v1;
	v28 =	vmov s23;
	[tilespmem:v24+s30+$0x0] =	vst.idx.msk $0xffff, v18;
	v24 =	vld [tilespmem:s15+$0xFFFFFFA0]  }
0x15c: {  	s22 =	simm.s32 $0x23;
	[tilespmem:v30+s30+$0x0] =	vst.idx.msk $0xffff, v29;
	v18 =	vbroadcast v25, $0x0;
	v25 =	vshrl.u32 v28, $0x3;
	v29 =	vadd.s32 v15, v19;
	v28 =	vld [tilespmem:s15+$0xE0]  }
0x15d: {  	v23 =	vmov s22;
	v19 =	vadd.s32 v16, v19;
	[tilespmem:v17+s30+$0x0] =	vst.idx.msk $0xffff, v56;
	v17 =	vshll.u32 v25, v1;
	v25 =	vld [tilespmem:s15+$0xF0]  }
0x15e: {  	v30 =	vld [tilespmem:s18+$0xFFFFFF40];
	v57 =	vadd.s32 v5, v18;
	[tilespmem:v22+s30+$0x0] =	vst.idx.msk $0xffff, v33;
	v17 =	vbroadcast v17, $0x0;
	v22 =	vshrl.u32 v55, $0x3  }
0x15f: {  	v58 =	vld [tilespmem:s18+$0xFFFFFF50];
	v59 =	vadd.s32 v6, v18;
	v18 =	vshrl.u32 v23, $0x3;
	[tilespmem:v21+s30+$0x0] =	vst.idx.msk $0xffff, v31;
	v21 =	vshll.u32 v22, v1  }
0x160: {  	s19 =	simm.s32 $0x30;
	[tilespmem:v20+s30+$0x0] =	vst.idx.msk $0xffff, v26;
	v23 =	vshll.u32 v27, v1;
	v20 =	vld [tilespmem:s18+$0x60];
	v22 =	vadd.s32 v7, v17;
	v21 =	vbroadcast v21, $0x0  }
0x161: {  	v26 =	vmov s19;
	s22 =	simm.s32 $0x2C;
	v27 =	vshll.u32 v18, v1;
	v31 =	vld [tilespmem:s18+$0x70];
	v35 =	vadd.s32 v8, v17;
	[tilespmem:v29+s30+$0x0] =	vst.idx.msk $0xffff, v28  }
0x162: {  	v18 =	vbroadcast v23, $0x0;
	v23 =	vld [tilespmem:s20+$0xFFFFFFE0];
	v17 =	vmov s22;
	v29 =	vadd.s32 v11, v21;
	[tilespmem:v19+s30+$0x0] =	vst.idx.msk $0xffff, v25  }
0x163: {  	s23 =	simm.s32 $0x16;
	v17 =	vshrl.u32 v17, $0x3;
	v28 =	vld [tilespmem:s15+$0xFFFFFFB0];
	v21 =	vadd.s32 v12, v21;
	[tilespmem:v57+s30+$0x0] =	vst.idx.msk $0xffff, v30;
	v19 =	vbroadcast v27, $0x0  }
0x164: {  	v25 =	vshll.u32 v17, v1;
	v27 =	vmov s23;
	v17 =	vld [tilespmem:s20+$0xFFFFFFF0];
	v30 =	vadd.s32 v15, v18;
	[tilespmem:v59+s30+$0x0] =	vst.idx.msk $0xffff, v58  }
0x165: {  	s21 =	simm.s32 $0x38;
	v32 =	vld [tilespmem:s18+$0xFFFFFF60];
	v60 =	vadd.s32 v7, v19;
	[tilespmem:v22+s30+$0x0] =	vst.idx.msk $0xffff, v20;
	v20 =	vbroadcast v25, $0x0;
	v22 =	vshrl.u32 v27, $0x3  }
0x166: {  	v25 =	vmov s21;
	v27 =	vld [tilespmem:s18+$0xFFFFFF70];
	v61 =	vadd.s32 v8, v19;
	[tilespmem:v35+s30+$0x0] =	vst.idx.msk $0xffff, v31;
	v19 =	vshll.u32 v22, v1  }
0x167: {  	v22 =	vshrl.u32 v25, $0x3;
	v31 =	vld [tilespmem:s18+$0x80];
	v62 =	vadd.s32 v9, v20;
	[tilespmem:v29+s30+$0x0] =	vst.idx.msk $0xffff, v24;
	v24 =	vbroadcast v19, $0x0  }
0x168: {  	s22 =	simm.s32 $0x2D;
	v19 =	vshrl.u32 v26, $0x3;
	v22 =	vshll.u32 v22, v1;
	v36 =	vld [tilespmem:s18+$0x90];
	v37 =	vadd.s32 v10, v20;
	[tilespmem:v21+s30+$0x0] =	vst.idx.msk $0xffff, v28  }
0x169: {  	v20 =	vmov s22;
	v28 =	vbroadcast v22, $0x0;
	[tilespmem:v30+s30+$0x0] =	vst.idx.msk $0xffff, v23;
	v21 =	vld [tilespmem:s15+$0xFFFFFFC0];
	v22 =	vadd.s32 v13, v24  }
0x16a: {  	s20 =	simm.s32 $0xAB00;
	v23 =	vshll.u32 v19, v1;
	v30 =	vshrl.u32 v20, $0x3;
	v19 =	vld [tilespmem:s15+$0xFFFFFFD0];
	v20 =	vadd.s32 v14, v24;
	[tilespmem:v60+s30+$0x0] =	vst.idx.msk $0xffff, v32  }
0x16b: {  	s23 =	simm.s32 $0x24;
	v26 =	vld [tilespmem:s20+$0x0];
	v25 =	vbroadcast v23, $0x0;
	v23 =	vshll.u32 v30, v1;
	v29 =	vadd.s32 v0, v28;
	[tilespmem:v61+s30+$0x0] =	vst.idx.msk $0xffff, v27  }
0x16c: {  	v63 =	vmov s23;
	s22 =	simm.s32 $0x39;
	v30 =	vadd.s32 v2, v28;
	v23 =	vbroadcast v23, $0x0;
	v27 =	vld [tilespmem:s20+$0x10];
	[tilespmem:v62+s30+$0x0] =	vst.idx.msk $0xffff, v31  }
0x16d: {  	s13 =	sadd.s32 $0x1, s13;
	s21 =	simm.s32 $0x40;
	v24 =	vld [tilespmem:s20+$0xFFFFFF00];
	v32 =	vmov s22;
	v28 =	vadd.s32 v0, v25;
	v31 =	vshrl.u32 v63, $0x3;
	[tilespmem:v37+s30+$0x0] =	vst.idx.msk $0xffff, v36  }
.LBB2_7:
0x16e: {  	p1 =	slt.u32 s21, $0x1F0;
	v32 =	vshrl.u32 v32, $0x3;
	v31 =	vshll.u32 v31, v1;
	v33 =	vld [tilespmem:s18+$0xA0];
	v34 =	vadd.s32 v11, v23;
	[tilespmem:v22+s30+$0x0] =	vst.idx.msk $0xffff, v21  }
0x16f: {  	v23 =	vadd.s32 v12, v23;
	s22 =	sadd.s32 $0xE, s17;
	v21 =	vshll.u32 v32, v1;
	v22 =	vbroadcast v31, $0x0;
	v31 =	vld [tilespmem:s18+$0xB0];
	[tilespmem:v20+s30+$0x0] =	vst.idx.msk $0xffff, v19  }
0x170: {  	v20 =	vadd.s32 v2, v25;
	v25 =	vmov s22;
	s22 =	sadd.s32 $0x7, s16;
	s16 =	smov.u32 s17;
	s17 =	smov.u32 s19;
	v19 =	vld [tilespmem:s20+$0xFFFFFF10];
	[tilespmem:v29+s30+$0x0] =	vst.idx.msk $0xffff, v26;
	v21 =	vbroadcast v21, $0x0  }
0x171: {  	s19 =	smov.u32 s21;
	s23 =	sadd.s32 $0x1, s17;
	v25 =	vshrl.u32 v25, $0x3;
	v29 =	vmov s22;
	[tilespmem:v30+s30+$0x0] =	vst.idx.msk $0xffff, v27;
	v26 =	vld [tilespmem:s18+$0xFFFFFF80];
	v27 =	vadd.s32 v9, v22  }
0x172: {  	v25 =	vshll.u32 v25, v1;
	[tilespmem:v28+s30+$0x0] =	vst.idx.msk $0xffff, v24;
	v24 =	vmov s23;
	v28 =	vld [tilespmem:s20+$0x20];
	v30 =	vadd.s32 v3, v21  }
0x173: {  	s22 =	sadd.s32 $0xA, s17;
	v21 =	vadd.s32 v4, v21;
	v25 =	vbroadcast v25, $0x0;
	v24 =	vshrl.u32 v24, $0x3;
	v32 =	vld [tilespmem:s20+$0x30];
	[tilespmem:v34+s30+$0x0] =	vst.idx.msk $0xffff, v33  }
0x174: {  	v22 =	vadd.s32 v10, v22;
	v33 =	vmov s22;
	v24 =	vshll.u32 v24, v1;
	v34 =	vld [tilespmem:s18+$0xFFFFFF90];
	[tilespmem:v23+s30+$0x0] =	vst.idx.msk $0xffff, v31  }
0x175: {  	s22 =	sadd.s32 $0x5, s16;
	[tilespmem:v20+s30+$0x0] =	vst.idx.msk $0xffff, v19;
	v19 =	vbroadcast v24, $0x0;
	v20 =	vshrl.u32 v33, $0x3;
	v23 =	vld [tilespmem:s18+$0xC0];
	v24 =	vadd.s32 v13, v25  }
0x176: {  	v25 =	vadd.s32 v14, v25;
	v20 =	vshll.u32 v20, v1;
	[tilespmem:v27+s30+$0x0] =	vst.idx.msk $0xffff, v26;
	v26 =	vmov s22;
	v27 =	vld [tilespmem:s18+$0xD0];
	s22 =	sadd.s32 $0xF, s16  }
0x177: {  	s23 =	sadd.s32 $0x3, s17;
	v31 =	vld [tilespmem:s20+$0xFFFFFF20];
	v33 =	vadd.s32 v3, v19;
	[tilespmem:v30+s30+$0x0] =	vst.idx.msk $0xffff, v28;
	v20 =	vbroadcast v20, $0x0;
	v28 =	vmov s22  }
0x178: {  	v35 =	vmov s23;
	v19 =	vadd.s32 v4, v19;
	s22 =	sadd.s32 $0x2, s17;
	v30 =	vld [tilespmem:s20+$0xFFFFFF30];
	[tilespmem:v21+s30+$0x0] =	vst.idx.msk $0xffff, v32;
	v21 =	vshrl.u32 v28, $0x3  }
0x179: {  	v28 =	vmov s22;
	v32 =	vld [tilespmem:s20+$0x40];
	v36 =	vadd.s32 v5, v20;
	[tilespmem:v22+s30+$0x0] =	vst.idx.msk $0xffff, v34;
	v21 =	vshll.u32 v21, v1  }
0x17a: {  	s22 =	sadd.s32 $0xB, s17;
	v22 =	vshrl.u32 v28, $0x3;
	v20 =	vadd.s32 v6, v20;
	v28 =	vld [tilespmem:s20+$0x50];
	[tilespmem:v24+s30+$0x0] =	vst.idx.msk $0xffff, v23;
	v21 =	vbroadcast v21, $0x0  }
0x17b: {  	v18 =	vadd.s32 v16, v18;
	v22 =	vshll.u32 v22, v1;
	v23 =	vmov s22;
	v24 =	vld [tilespmem:s18+$0xFFFFFFA0];
	[tilespmem:v25+s30+$0x0] =	vst.idx.msk $0xffff, v27  }
0x17c: {  	v22 =	vbroadcast v22, $0x0;
	v23 =	vshrl.u32 v23, $0x3;
	[tilespmem:v33+s30+$0x0] =	vst.idx.msk $0xffff, v31;
	v25 =	vld [tilespmem:s18+$0xE0];
	v27 =	vadd.s32 v15, v21  }
0x17d: {  	v29 =	vshrl.u32 v29, $0x3;
	v21 =	vadd.s32 v16, v21;
	[tilespmem:v19+s30+$0x0] =	vst.idx.msk $0xffff, v30;
	v19 =	vshll.u32 v23, v1;
	v23 =	vld [tilespmem:s18+$0xF0]  }
0x17e: {  	v26 =	vshrl.u32 v26, $0x3;
	v31 =	vadd.s32 v5, v22;
	v30 =	vld [tilespmem:s20+$0xFFFFFF40];
	[tilespmem:v36+s30+$0x0] =	vst.idx.msk $0xffff, v32;
	v19 =	vbroadcast v19, $0x0  }
0x17f: {  	v33 =	vshrl.u32 v35, $0x3;
	v22 =	vadd.s32 v6, v22;
	v32 =	vld [tilespmem:s20+$0xFFFFFF50];
	[tilespmem:v20+s30+$0x0] =	vst.idx.msk $0xffff, v28;
	v20 =	vshll.u32 v26, v1  }
0x180: {  	v29 =	vshll.u32 v29, v1;
	v26 =	vld [tilespmem:s20+$0x60];
	v28 =	vadd.s32 v7, v19;
	v20 =	vbroadcast v20, $0x0;
	[tilespmem:v18+s30+$0x0] =	vst.idx.msk $0xffff, v17  }
0x181: {  	v34 =	vmov s21;
	s22 =	sadd.s32 $0xC, s17;
	v17 =	vshll.u32 v33, v1;
	v19 =	vadd.s32 v8, v19;
	v33 =	vld [tilespmem:s20+$0x70];
	[tilespmem:v27+s30+$0x0] =	vst.idx.msk $0xffff, v25  }
0x182: {  	v18 =	vbroadcast v29, $0x0;
	v25 =	vmov s22;
	v27 =	vld [tilespmem:s18+$0xFFFFFFB0];
	v35 =	vadd.s32 v11, v20;
	[tilespmem:v21+s30+$0x0] =	vst.idx.msk $0xffff, v23  }
0x183: {  	s22 =	sadd.s32 $0x6, s16;
	v21 =	vbroadcast v17, $0x0;
	v17 =	vshrl.u32 v25, $0x3;
	v20 =	vadd.s32 v12, v20;
	[tilespmem:v31+s30+$0x0] =	vst.idx.msk $0xffff, v30;
	v23 =	vld [tilespmem:s15+$0xFFFFFFE0]  }
0x184: {  	v25 =	vmov s22;
	v29 =	vadd.s32 v15, v18;
	[tilespmem:v22+s30+$0x0] =	vst.idx.msk $0xffff, v32;
	v22 =	vshll.u32 v17, v1;
	v17 =	vld [tilespmem:s15+$0xFFFFFFF0];
	s15 =	smov.u32 s18;
	s18 =	smov.u32 s20  }
0x185: {  	s22 =	sadd.s32 $0x8, s21;
	v25 =	vshrl.u32 v25, $0x3;
	v31 =	vadd.s32 v7, v21;
	v30 =	vld [tilespmem:s20+$0xFFFFFF60];
	[tilespmem:v28+s30+$0x0] =	vst.idx.msk $0xffff, v26;
	v22 =	vbroadcast v22, $0x0  }
0x186: {  	v32 =	vadd.s32 v8, v21;
	v26 =	vmov s22;
	v28 =	vld [tilespmem:s20+$0xFFFFFF70];
	[tilespmem:v19+s30+$0x0] =	vst.idx.msk $0xffff, v33;
	v19 =	vshll.u32 v25, v1  }
0x187: {  	v21 =	vshrl.u32 v26, $0x3;
	v33 =	vld [tilespmem:s20+$0x80];
	v36 =	vadd.s32 v9, v22;
	[tilespmem:v35+s30+$0x0] =	vst.idx.msk $0xffff, v24;
	v24 =	vbroadcast v19, $0x0  }
0x188: {  	s22 =	sadd.s32 $0xD, s17;
	v19 =	vshrl.u32 v34, $0x3;
	v21 =	vshll.u32 v21, v1;
	v35 =	vadd.s32 v10, v22;
	v34 =	vld [tilespmem:s20+$0x90];
	[tilespmem:v20+s30+$0x0] =	vst.idx.msk $0xffff, v27  }
.Ltmp2:
0x189: {  	v37 =	vbroadcast v21, $0x0;
	v20 =	vmov s22;
	v21 =	vld [tilespmem:s15+$0xFFFFFFC0];
	v22 =	vadd.s32 v13, v24;
	[tilespmem:v29+s30+$0x0] =	vst.idx.msk $0xffff, v23;
	(pc) =	sbr.rel @p1 .LBB2_7-.Ltmp2, $4  }
0x18a: {  	s20 =	sadd.s32 $0x200, s20;
	v23 =	vshll.u32 v19, v1;
	v27 =	vshrl.u32 v20, $0x3;
	v20 =	vadd.s32 v14, v24;
	[tilespmem:v31+s30+$0x0] =	vst.idx.msk $0xffff, v30;
	v19 =	vld [tilespmem:s15+$0xFFFFFFD0]  }
0x18b: {  	s22 =	sadd.s32 $0x4, s17;
	v25 =	vbroadcast v23, $0x0;
	v29 =	vadd.s32 v0, v37;
	v23 =	vshll.u32 v27, v1;
	v26 =	vld [tilespmem:s20+$0x0];
	[tilespmem:v32+s30+$0x0] =	vst.idx.msk $0xffff, v28  }
0x18c: {  	s23 =	sadd.s32 $0x9, s21;
	v30 =	vadd.s32 v2, v37;
	v31 =	vmov s22;
	v23 =	vbroadcast v23, $0x0;
	v27 =	vld [tilespmem:s20+$0x10];
	[tilespmem:v36+s30+$0x0] =	vst.idx.msk $0xffff, v33  }
0x18d: {  	s21 =	sadd.s32 $0x10, s21;
	v32 =	vmov s23;
	v31 =	vshrl.u32 v31, $0x3;
	v28 =	vadd.s32 v0, v25;
	v24 =	vld [tilespmem:s20+$0xFFFFFF00];
	[tilespmem:v35+s30+$0x0] =	vst.idx.msk $0xffff, v34  }
0x18e: {  	_ =	sdelay $0x1  }
0x18f: {  	v32 =	vshrl.u32 v32, $0x3  }
0x190: {  	v32 =	vshll.u32 v32, v1  }
0x191: {  	v33 =	vld [tilespmem:s20+$0xFFFFFF10];
	v25 =	vadd.s32 v2, v25;
	s21 =	sadd.s32 $0x1, s19;
	[tilespmem:v29+s30+$0x0] =	vst.idx.msk $0xffff, v26;
	v36 =	vbroadcast v32, $0x0  }
0x192: {  	v37 =	vmov s21;
	[tilespmem:v30+s30+$0x0] =	vst.idx.msk $0xffff, v27  }
0x193: {  	v27 =	vshrl.u32 v37, $0x3;
	v29 =	vld [tilespmem:s20+$0x20];
	v38 =	vadd.s32 v3, v36  }
0x194: {  	s22 =	sadd.s32 $0xA, s19;
	v39 =	vld [tilespmem:s20+$0x30];
	v26 =	vadd.s32 v4, v36;
	v27 =	vshll.u32 v27, v1  }
0x195: {  	v40 =	vmov s22;
	[tilespmem:v28+s30+$0x0] =	vst.idx.msk $0xffff, v24;
	v27 =	vbroadcast v27, $0x0  }
0x196: {  	v24 =	vshrl.u32 v40, $0x3;
	[tilespmem:v25+s30+$0x0] =	vst.idx.msk $0xffff, v33  }
0x197: {  	v24 =	vshll.u32 v24, v1;
	v25 =	vld [tilespmem:s20+$0xFFFFFF20];
	v41 =	vadd.s32 v3, v27  }
0x198: {  	s23 =	sadd.s32 $0x2, s19;
	v24 =	vbroadcast v24, $0x0;
	v42 =	vld [tilespmem:s20+$0xFFFFFF30];
	v27 =	vadd.s32 v4, v27;
	[tilespmem:v38+s30+$0x0] =	vst.idx.msk $0xffff, v29  }
0x199: {  	v43 =	vld [tilespmem:s18+$0xA0];
	v44 =	vadd.s32 v11, v23;
	v45 =	vmov s23;
	[tilespmem:v26+s30+$0x0] =	vst.idx.msk $0xffff, v39  }
0x19a: {  	v31 =	vshll.u32 v31, v1;
	[tilespmem:v22+s30+$0x0] =	vst.idx.msk $0xffff, v21;
	v34 =	vadd.s32 v5, v24;
	v26 =	vshrl.u32 v45, $0x3;
	v32 =	vld [tilespmem:s20+$0x40]  }
0x19b: {  	v46 =	vbroadcast v31, $0x0;
	s22 =	sadd.s32 $0xB, s19;
	[tilespmem:v20+s30+$0x0] =	vst.idx.msk $0xffff, v19;
	v24 =	vadd.s32 v6, v24;
	v47 =	vld [tilespmem:s20+$0x50];
	v26 =	vshll.u32 v26, v1  }
0x19c: {  	v48 =	vld [tilespmem:s18+$0xB0];
	v49 =	vadd.s32 v12, v23;
	v35 =	vmov s22;
	[tilespmem:v41+s30+$0x0] =	vst.idx.msk $0xffff, v25;
	v50 =	vbroadcast v26, $0x0  }
0x19d: {  	v51 =	vld [tilespmem:s18+$0xFFFFFF80];
	s23 =	sadd.s32 $0xE, s17;
	v52 =	vadd.s32 v9, v46;
	v35 =	vshrl.u32 v35, $0x3;
	[tilespmem:v27+s30+$0x0] =	vst.idx.msk $0xffff, v42  }
0x19e: {  	v53 =	vmov s23;
	v54 =	vshll.u32 v35, v1;
	[tilespmem:v44+s30+$0x0] =	vst.idx.msk $0xffff, v43;
	v55 =	vld [tilespmem:s20+$0xFFFFFF40];
	v56 =	vadd.s32 v5, v50  }
0x19f: {  	s22 =	sadd.s32 $0x3, s19;
	v29 =	vbroadcast v54, $0x0;
	v27 =	vshrl.u32 v53, $0x3;
	v57 =	vld [tilespmem:s20+$0xFFFFFF50];
	v25 =	vadd.s32 v6, v50;
	[tilespmem:v34+s30+$0x0] =	vst.idx.msk $0xffff, v32  }
0x1a0: {  	v58 =	vld [tilespmem:s18+$0xFFFFFF90];
	v21 =	vadd.s32 v10, v46;
	v59 =	vmov s22;
	v27 =	vshll.u32 v27, v1;
	[tilespmem:v24+s30+$0x0] =	vst.idx.msk $0xffff, v47  }
0x1a1: {  	v61 =	vshrl.u32 v59, $0x3;
	[tilespmem:v49+s30+$0x0] =	vst.idx.msk $0xffff, v48;
	v62 =	vadd.s32 v7, v29;
	v60 =	vbroadcast v27, $0x0;
	v24 =	vld [tilespmem:s20+$0x60]  }
0x1a2: {  	s23 =	sadd.s32 $0xC, s19;
	v23 =	vshll.u32 v61, v1;
	[tilespmem:v52+s30+$0x0] =	vst.idx.msk $0xffff, v51;
	v36 =	vadd.s32 v8, v29;
	v63 =	vld [tilespmem:s20+$0x70]  }
0x1a3: {  	v23 =	vbroadcast v23, $0x0;
	v37 =	vld [tilespmem:s18+$0xC0];
	v39 =	vmov s23;
	v38 =	vadd.s32 v13, v60;
	[tilespmem:v56+s30+$0x0] =	vst.idx.msk $0xffff, v55  }
0x1a4: {  	v18 =	vadd.s32 v16, v18;
	v40 =	vld [tilespmem:s18+$0xD0];
	v41 =	vshrl.u32 v39, $0x3;
	v22 =	vadd.s32 v14, v60;
	[tilespmem:v25+s30+$0x0] =	vst.idx.msk $0xffff, v57  }
0x1a5: {  	s22 =	sadd.s32 $0x5, s17;
	v44 =	vadd.s32 v7, v23;
	[tilespmem:v21+s30+$0x0] =	vst.idx.msk $0xffff, v58;
	v43 =	vshll.u32 v41, v1;
	v32 =	vld [tilespmem:s20+$0xFFFFFF60]  }
0x1a6: {  	s21 =	sadd.s32 $0xF, s17;
	v23 =	vadd.s32 v8, v23;
	s23 =	sadd.s32 $0x4, s19;
	v21 =	vbroadcast v43, $0x0;
	v47 =	vmov s22;
	v46 =	vld [tilespmem:s20+$0xFFFFFF70];
	[tilespmem:v62+s30+$0x0] =	vst.idx.msk $0xffff, v24  }
0x1a7: {  	v45 =	vmov s21;
	v48 =	vmov s23;
	v19 =	vshrl.u32 v47, $0x3;
	[tilespmem:v36+s30+$0x0] =	vst.idx.msk $0xffff, v63  }
0x1a8: {  	v26 =	vshrl.u32 v48, $0x3;
	v51 =	vadd.s32 v9, v21;
	v19 =	vshll.u32 v19, v1;
	[tilespmem:v38+s30+$0x0] =	vst.idx.msk $0xffff, v37;
	v50 =	vld [tilespmem:s20+$0x80]  }
0x1a9: {  	v26 =	vshll.u32 v26, v1;
	v21 =	vadd.s32 v10, v21;
	s22 =	sadd.s32 $0xD, s19;
	v19 =	vbroadcast v19, $0x0;
	[tilespmem:v22+s30+$0x0] =	vst.idx.msk $0xffff, v40;
	v52 =	vld [tilespmem:s20+$0x90]  }
0x1aa: {  	v53 =	vld [tilespmem:s18+$0xFFFFFFA0];
	v26 =	vbroadcast v26, $0x0;
	v34 =	vshrl.u32 v45, $0x3;
	v54 =	vmov s22;
	[tilespmem:v44+s30+$0x0] =	vst.idx.msk $0xffff, v32  }
0x1ab: {  	v49 =	vshll.u32 v34, v1;
	v34 =	vshrl.u32 v54, $0x3;
	v37 =	vadd.s32 v11, v19;
	v55 =	vld [tilespmem:s18+$0xE0];
	[tilespmem:v23+s30+$0x0] =	vst.idx.msk $0xffff, v46  }
0x1ac: {  	v58 =	vadd.s32 v9, v26;
	v28 =	vbroadcast v49, $0x0;
	v57 =	vshll.u32 v34, v1;
	v23 =	vld [tilespmem:s20+$0xFFFFFF80]  }
0x1ad: {  	s16 =	sadd.s32 $0x7, s16;
	s23 =	sadd.s32 $0x5, s19;
	v26 =	vadd.s32 v10, v26;
	v20 =	vbroadcast v57, $0x0;
	v59 =	vld [tilespmem:s20+$0xFFFFFF90];
	[tilespmem:v51+s30+$0x0] =	vst.idx.msk $0xffff, v50  }
0x1ae: {  	v61 =	vmov s23;
	v42 =	vmov s16;
	s22 =	sadd.s32 $0x6, s17;
	v56 =	vadd.s32 v15, v28;
	v36 =	vld [tilespmem:s18+$0xFFFFFFB0];
	[tilespmem:v21+s30+$0x0] =	vst.idx.msk $0xffff, v52  }
0x1af: {  	[tilespmem:v18+s30+$0x0] =	vst.idx.msk $0xffff, v17;
	v41 =	vmov s22;
	v18 =	vadd.s32 v11, v20;
	v21 =	vshrl.u32 v61, $0x3;
	v17 =	vld [tilespmem:s20+$0xA0]  }
0x1b0: {  	s21 =	sadd.s32 $0xE, s19;
	v25 =	vshrl.u32 v42, $0x3;
	v20 =	vadd.s32 v12, v20;
	[tilespmem:v37+s30+$0x0] =	vst.idx.msk $0xffff, v53;
	v63 =	vld [tilespmem:s20+$0xB0];
	v21 =	vshll.u32 v21, v1  }
0x1b1: {  	v39 =	vld [tilespmem:s15+$0xFFFFFFE0];
	v38 =	vmov s21;
	v19 =	vadd.s32 v12, v19;
	[tilespmem:v58+s30+$0x0] =	vst.idx.msk $0xffff, v23;
	v21 =	vbroadcast v21, $0x0  }
0x1b2: {  	v28 =	vadd.s32 v16, v28;
	v62 =	vshll.u32 v25, v1;
	v40 =	vshrl.u32 v38, $0x3;
	v60 =	vld [tilespmem:s18+$0xF0];
	[tilespmem:v26+s30+$0x0] =	vst.idx.msk $0xffff, v59  }
0x1b3: {  	v22 =	vbroadcast v62, $0x0;
	v24 =	vshll.u32 v40, v1;
	[tilespmem:v56+s30+$0x0] =	vst.idx.msk $0xffff, v55;
	v27 =	vld [tilespmem:s20+$0xFFFFFFA0];
	v42 =	vadd.s32 v11, v21  }
0x1b4: {  	s23 =	sadd.s32 $0x6, s19;
	v26 =	vshrl.u32 v41, $0x3;
	v21 =	vadd.s32 v12, v21;
	[tilespmem:v18+s30+$0x0] =	vst.idx.msk $0xffff, v17;
	v17 =	vbroadcast v24, $0x0;
	v18 =	vld [tilespmem:s20+$0xFFFFFFB0]  }
0x1b5: {  	v43 =	vld [tilespmem:s15+$0xFFFFFFF0];
	v45 =	vmov s23;
	v44 =	vadd.s32 v15, v22;
	v26 =	vshll.u32 v26, v1;
	[tilespmem:v20+s30+$0x0] =	vst.idx.msk $0xffff, v63  }
0x1b6: {  	[tilespmem:v19+s30+$0x0] =	vst.idx.msk $0xffff, v36;
	v46 =	vbroadcast v26, $0x0;
	v20 =	vshrl.u32 v45, $0x3;
	v47 =	vld [tilespmem:s20+$0xC0];
	v48 =	vadd.s32 v13, v17  }
0x1b7: {  	s21 =	sadd.s32 $0xF, s19;
	[tilespmem:v28+s30+$0x0] =	vst.idx.msk $0xffff, v60;
	v19 =	vld [tilespmem:s20+$0xD0];
	v17 =	vadd.s32 v14, v17;
	v20 =	vshll.u32 v20, v1  }
0x1b8: {  	v31 =	vld [tilespmem:s18+$0xFFFFFFC0];
	v50 =	vmov s21;
	v49 =	vadd.s32 v13, v46;
	[tilespmem:v42+s30+$0x0] =	vst.idx.msk $0xffff, v27;
	v20 =	vbroadcast v20, $0x0  }
0x1b9: {  	s22 =	sadd.s32 $0x7, s17;
	v51 =	vld [tilespmem:s18+$0xFFFFFFD0];
	v52 =	vshrl.u32 v50, $0x3;
	v25 =	vadd.s32 v14, v46;
	[tilespmem:v21+s30+$0x0] =	vst.idx.msk $0xffff, v18  }
0x1ba: {  	[tilespmem:v44+s30+$0x0] =	vst.idx.msk $0xffff, v39;
	v53 =	vshll.u32 v52, v1;
	v18 =	vmov s22;
	v55 =	vadd.s32 v13, v20;
	v54 =	vld [tilespmem:s20+$0xFFFFFFC0]  }
0x1bb: {  	s23 =	sadd.s32 $0x7, s19;
	v21 =	vbroadcast v53, $0x0;
	v20 =	vadd.s32 v14, v20;
	v18 =	vshrl.u32 v18, $0x3;
	v56 =	vld [tilespmem:s20+$0xFFFFFFD0];
	[tilespmem:v48+s30+$0x0] =	vst.idx.msk $0xffff, v47  }
0x1bc: {  	v18 =	vshll.u32 v18, v1;
	[tilespmem:v17+s30+$0x0] =	vst.idx.msk $0xffff, v19;
	v17 =	vadd.s32 v16, v22;
	v19 =	vmov s23  }
0x1bd: {  	[tilespmem:v49+s30+$0x0] =	vst.idx.msk $0xffff, v31;
	v58 =	vadd.s32 v15, v21;
	v18 =	vbroadcast v18, $0x0;
	v57 =	vld [tilespmem:s20+$0xE0];
	v19 =	vshrl.u32 v19, $0x3  }
0x1be: {  	[tilespmem:v25+s30+$0x0] =	vst.idx.msk $0xffff, v51;
	v21 =	vadd.s32 v16, v21;
	v59 =	vld [tilespmem:s20+$0xF0];
	v19 =	vshll.u32 v19, v1  }
0x1bf: {  	v27 =	vld [tilespmem:s18+$0xFFFFFFE0];
	v60 =	vadd.s32 v15, v18;
	[tilespmem:v55+s30+$0x0] =	vst.idx.msk $0xffff, v54;
	v19 =	vbroadcast v19, $0x0  }
0x1c0: {  	v61 =	vld [tilespmem:s18+$0xFFFFFFF0];
	v18 =	vadd.s32 v16, v18;
	[tilespmem:v20+s30+$0x0] =	vst.idx.msk $0xffff, v56  }
0x1c1: {  	[tilespmem:v17+s30+$0x0] =	vst.idx.msk $0xffff, v43;
	v17 =	vld [tilespmem:s20+$0xFFFFFFE0];
	v62 =	vadd.s32 v15, v19  }
0x1c2: {  	v63 =	vld [tilespmem:s20+$0xFFFFFFF0];
	v19 =	vadd.s32 v16, v19;
	[tilespmem:v58+s30+$0x0] =	vst.idx.msk $0xffff, v57  }
0x1c3: {  	[tilespmem:v21+s30+$0x0] =	vst.idx.msk $0xffff, v59  }
0x1c4: {  	[tilespmem:v60+s30+$0x0] =	vst.idx.msk $0xffff, v27  }
0x1c5: {  	[tilespmem:v18+s30+$0x0] =	vst.idx.msk $0xffff, v61  }
0x1c6: {  	s14 =	sadd.s32 s14, s7;
	s16 =	simm.s32 $0x800;
	[tilespmem:v62+s30+$0x0] =	vst.idx.msk $0xffff, v17  }
0x1c7: {  	s15 =	simm.s32 $0x12500;
	s17 =	simm.s32 $0x12708;
	s18 =	sadd.s32 $0x0, s14;
	[tilespmem:v19+s30+$0x0] =	vst.idx.msk $0xffff, v63  }
.LBB2_9:
0x1c8: {  	[hbm4b:s18+s2] =	stream.linear.scatter [tilespmem:s15], [sflag:$0x4], $0x200, $0x38;
	[tilespmem:$0x16600] =	vst v63  }
0x1c9: {  	s18 =	smov.u32 s16;
	s15 =	smov.u32 s17;
	p1 =	sne.s32 s16, $0xF800  }
.Ltmp3:
0x1ca: {  	s16 =	sadd.s32 $0x800, s16;
	(pc) =	sbr.rel @p1 .LBB2_9-.Ltmp3, $2  }
0x1cb: {  	_ =	sdelay $0x2  }
0x1cc: {  	s17 =	sadd.s32 $0x208, s17;
	s18 =	sadd.s32 s18, s14  }
0x1cd: {  	[hbm4b:s18+s2] =	stream.linear.scatter [tilespmem:s15], [sflag:$0x4], $0x200, $0x38;
	[tilespmem:$0x16600] =	vst v63  }
0x1ce: {  	s14 =	sadd.s32 @!p0 $0x600, s10;
	s15 =	simm.s32 @!p0 $0x80;
	s16 =	simm.s32 @!p0 $0xA400  }
0x1cf: {  	[tilespmem:s16], [sflag:$0x2] =	stream.indirect.gather @!p0 [hbm4b:s3+s15], $0x20, s14, s15, $0xb8;
	[tilespmem:$0x16600] =	vst v63  }
0x1d0: {  	s14 =	sadd.s32 @!p0 $0x680, s10;
	s16 =	simm.s32 @!p0 $0xB400  }
0x1d1: {  	[tilespmem:s16], [sflag:$0x2] =	stream.indirect.gather @!p0 [hbm4b:s3+s15], $0x20, s14, s15, $0xb8;
	[tilespmem:$0x16600] =	vst v63  }
0x1d2: {  	s14 =	sadd.s32 @!p0 $0x700, s10;
	s16 =	simm.s32 @!p0 $0xC400  }
0x1d3: {  	[tilespmem:s16], [sflag:$0x2] =	stream.indirect.gather @!p0 [hbm4b:s3+s15], $0x20, s14, s15, $0xb8;
	[tilespmem:$0x16600] =	vst v63  }
0x1d4: {  	p1 =	sne.s32 @!p0 s13, $0x19;
	s10 =	sadd.s32 @!p0 $0x780, s10;
	s14 =	simm.s32 @!p0 $0xD400  }
0x1d5: {  	[tilespmem:s14], [sflag:$0x2] =	stream.indirect.gather @!p0 [hbm4b:s3+s15], $0x20, s10, s15, $0xb8;
	[tilespmem:$0x16600] =	vst v63  }
0x1d6: {  	p0 =	por p0, !p1  }
.Ltmp4:
0x1d7: {  	_ = 	snop;
	(pc) =	sbr.rel @!p0 .LBB2_2-.Ltmp4, $1  }
0x1d8: {  	_ =	sdelay $0x3  }
0x1d9: {  	s1 =	sadd.s32 $0x1, s1  }
0x1da: {  	_ =	swait.ge [sflag:s31], $0x4000;
	p0 =	sne.s32 s1, s8  }
.Ltmp5:
0x1db: {  	[sflag:s31] =	ssyncset.done $0x0;
	(pc) =	sbr.rel @p0 .LBB2_1-.Ltmp5, $4  }
0x1dc: {  	[sflag:s31] =	ssyncadd.s32 $0xFFFFC000  }
0x1dd: {  	_ =	swait.ge [sflag:s0], $0x4000  }
0x1de: {  	[sflag:s0] =	ssyncset.done $0x0  }
0x1df: {  	[sflag:s0] =	ssyncadd.s32 $0xFFFFC000  }
0x1e0: {  	_ =	sfence.sel $0x180000  }
0x1e1: {  	[bflag:$0x0] =	sbarrier.arrive $0xFFFF  }
0x1e2: {  	_ =	strace $0x90000047  }
0x1e3: {  	s0 =	stileid.u32;
	[bflag:$0x2] =	sbarrier.arrive $0xFFFF  }
0x1e4: {  	p0 =	sne.s32 s0, $0x0;
	s0 =	rddreg [dreg:$0x2]  }
0x1e5: {  	s0 =	sadd.s32 @!p0 $0x100000, s0  }
0x1e6: {  	[sflag:s0] =	ssyncadd.tile.s32 @!p0 $0x1;
	_ =	shalt  }
.Lfunc_end2:
_tile_overlayer_lowered:
.L_overlay_start_2:
0x1e7: {  	(tag) =	ssettag $0x2  }
0x1e8: {  	s0 =	rddreg [dreg:$0x0];
	s2 =	stileid.u32  }
0x1e9: {  	s1 =	rddreg [dreg:$0x1];
	p0 =	sne.s32 s2, $0x0  }
0x1ea: {  	s3 =	rddreg [dreg:$0x2];
	[bflag:$0x3] =	sbarrier.arrive $0xFFFF;
	s2 =	simm.s32 @!p0 $0x1C05  }
0x1eb: {  	[timem:s3], [sflag:s2] =	dma.local @!p0 [hbm:s0], s1  }
0x1ec: {  	s0 =	simm.s32 @!p0 $0x5  }
0x1ed: {  	_ =	swait.ge @!p0 [sflag:s0], s1  }
0x1ee: {  	s1 =	ssub.s32 @!p0 $0x0, s1;
	[sflag:s0] =	ssyncset.done @!p0 $0x0  }
0x1ef: {  	[sflag:s0] =	ssyncadd.s32 @!p0 s1  }
0x1f0: {  	[bflag:$0x3] =	sbarrier.arrive $0xFFFF  }
0x1f1: {  	_ =	shalt  }

</sc_bundles>
